<compile_context>
chip_gen: v7x
topology: tpu7x:2x2x1
jax: 0.10.2.dev20260603
libtpu: 0.0.44.dev20260713+nightly
codegen_flags: <defaults>
</compile_context>

<pallas_src>
import functools

import numpy as np
import jax
import jax.numpy as jnp
from jax import lax
from jax.experimental import pallas as pl
from jax.experimental.pallas import tpu as pltpu
from jax.experimental.pallas import tpu_sc as plsc

L_LEVELS = 16
LOG2_T = 19
TBL = 2 ** LOG2_T
MASK = TBL - 1
BASE = 16
MAXRES = 2048
PRIMES = (1, 2654435761, 805459861)
N_FREQ = 6
PER_LEVEL_SCALE = float(np.exp((np.log(MAXRES) - np.log(BASE)) / (L_LEVELS - 1)))

_SCALES = []
_MY, _MZ, _DENSE = [], [], []
for _l in range(L_LEVELS):
    _scale = BASE * (PER_LEVEL_SCALE ** _l) - 1.0
    _res = int(np.ceil(_scale)) + 1
    _is_dense = (_res ** 3) <= TBL
    _SCALES.append(np.float32(_scale))
    if _is_dense:
        _MY.append(_res)
        _MZ.append(_res * _res)
        _DENSE.append(1)
    else:
        _MY.append(int(np.array(PRIMES[1], np.uint64).astype(np.uint32).view(np.int32)))
        _MZ.append(int(np.array(PRIMES[2], np.uint64).astype(np.uint32).view(np.int32)))
        _DENSE.append(0)
_CI = np.array([_MY, _MZ, _DENSE], dtype=np.int32).T.copy()
_CF = np.array(_SCALES, dtype=np.float32)

NC, NS = 2, 16
NW = NC * NS
B = 128
VPB = B // 16
GROWS = L_LEVELS * 8


def _sc_body(n_points, xT, tab, ci, cf, hg,
             xv, cvi, cvf, idxb, wbuf, rows, acc, sems):
    cid = lax.axis_index("c")
    sid = lax.axis_index("s")
    wid = sid * NC + cid
    chunk = n_points // NW
    pltpu.sync_copy(ci, cvi)
    pltpu.sync_copy(cf, cvf)

    iota = lax.iota(jnp.int32, 16)
    zero16 = jnp.zeros((16,), jnp.int32)
    one16 = jnp.full((16,), 1, jnp.int32)
    half = jnp.full((16,), 0.5, jnp.float32)
    fone = jnp.full((16,), 1.0, jnp.float32)
    maskv = jnp.full((16,), MASK, jnp.int32)

    def _accum_level(l):
        col0 = jnp.full((16,), 2 * l, jnp.int32)
        col1 = col0 + 1
        parv = jnp.full((16,), l & 1, jnp.int32)

        @pl.loop(0, VPB)
        def _acc(j):
            o16 = j * 16
            a0 = jnp.zeros((16,), jnp.float32)
            a1 = jnp.zeros((16,), jnp.float32)
            for c in range(8):
                rv = jnp.full((16,), c * 128 + o16, jnp.int32) + iota
                f0 = plsc.load_gather(rows, [parv, rv, zero16])
                f1 = plsc.load_gather(rows, [parv, rv, one16])
                w = wbuf[l * 8 + c, pl.ds(o16, 16)]
                a0 = a0 + w * f0
                a1 = a1 + w * f1
            prow = jnp.full((16,), o16, jnp.int32) + iota
            plsc.store_scatter(acc, [prow, col0], a0)
            plsc.store_scatter(acc, [prow, col1], a1)

    def _fire(l, s):
        for g2 in range(8):
            pltpu.async_copy(tab.at[idxb.at[l * 8 + g2]],
                             rows.at[l & 1, pl.ds(g2 * 128, 128), :], s)

    def _drain(l, s):
        for g2 in range(8):
            pltpu.make_async_copy(tab.at[idxb.at[l * 8 + g2]],
                                  rows.at[l & 1, pl.ds(g2 * 128, 128), :],
                                  s).wait()

    @pl.loop(0, chunk // B)
    def _blk(blk):
        base = wid * chunk + blk * B
        pltpu.sync_copy(xT.at[:, pl.ds(base, B)], xv)

        @pl.loop(0, L_LEVELS)
        def _lvl(l):
            lv = jnp.full((16,), l, jnp.int32)
            scale = plsc.load_gather(cvf, [lv])
            my = plsc.load_gather(cvi, [zero16, lv])
            mz = plsc.load_gather(cvi, [one16, lv])
            dense = plsc.load_gather(cvi, [one16 + one16, lv]) > 0
            lofs = jnp.full((16,), l * TBL, jnp.int32)

            @pl.loop(0, VPB)
            def _vec(j):
                o16 = j * 16
                px = xv[0, pl.ds(o16, 16)]
                py = xv[1, pl.ds(o16, 16)]
                pz = xv[2, pl.ds(o16, 16)]
                posx = px * scale + half
                posy = py * scale + half
                posz = pz * scale + half
                gx = posx.astype(jnp.int32)
                gy = posy.astype(jnp.int32)
                gz = posz.astype(jnp.int32)
                fx = posx - gx.astype(jnp.float32)
                fy = posy - gy.astype(jnp.float32)
                fz = posz - gz.astype(jnp.float32)
                cx = (gx, gx + 1)
                hy = (gy * my, gy * my + my)
                hz = (gz * mz, gz * mz + mz)
                wx = (fone - fx, fx)
                wy = (fone - fy, fy)
                wz = (fone - fz, fz)
                for c in range(8):
                    bx, by, bz = c & 1, (c >> 1) & 1, (c >> 2) & 1
                    comb = jnp.where(dense, hy[by] + hz[bz], hy[by] ^ hz[bz])
                    idx = jnp.where(dense, cx[bx] + comb, cx[bx] ^ comb)
                    idx = (idx & maskv) + lofs
                    idxb[l * 8 + c, pl.ds(o16, 16)] = idx
                    wbuf[l * 8 + c, pl.ds(o16, 16)] = wx[bx] * (wy[by] * wz[bz])

        @pl.loop(0, L_LEVELS)
        def _go(l):
            _fire(l, sems.at[l & 1])

            @pl.when(l > 0)
            def _():
                lm = l - 1
                _drain(lm, sems.at[lm & 1])
                _accum_level(lm)

        _drain(L_LEVELS - 1, sems.at[(L_LEVELS - 1) & 1])
        _accum_level(L_LEVELS - 1)

        pltpu.sync_copy(acc, hg.at[pl.ds(base, B), :])


@functools.cache
def _make_sc_kernel(n_points):
    mesh = plsc.VectorSubcoreMesh(core_axis_name="c", subcore_axis_name="s")
    return pl.kernel(
        functools.partial(_sc_body, n_points),
        out_type=jax.ShapeDtypeStruct((n_points, 2 * L_LEVELS), jnp.float32),
        mesh=mesh,
        compiler_params=pltpu.CompilerParams(
            use_tc_tiling_on_sc=False, needs_layout_passes=False),
        scratch_types=[
            pltpu.VMEM((3, B), jnp.float32),
            pltpu.VMEM((3, L_LEVELS), jnp.int32),
            pltpu.VMEM((L_LEVELS,), jnp.float32),
            pltpu.VMEM((GROWS, 128), jnp.int32),
            pltpu.VMEM((GROWS, 128), jnp.float32),
            pltpu.VMEM((2, 8 * 128, 2), jnp.float32),
            pltpu.VMEM((B, 2 * L_LEVELS), jnp.float32),
            pltpu.SemaphoreType.DMA((2,)),
        ],
    )


def _tc_body(x_ref, hg_ref, o_ref):
    xb = x_ref[...]
    parts = [xb]
    for i in range(N_FREQ):
        f = np.float32(2.0 ** i)
        parts.append(jnp.sin(xb * f))
        parts.append(jnp.cos(xb * f))
    parts.append(hg_ref[...])
    o_ref[...] = jnp.concatenate(parts, axis=-1)


def kernel(x, table):
    n = x.shape[0]
    xT = x.T
    tab = table.reshape(L_LEVELS * TBL, 2)
    hg = _make_sc_kernel(n)(xT, tab, jnp.asarray(_CI.T.copy()), jnp.asarray(_CF))

    bt = 512
    out_cols = 3 + 6 * N_FREQ + 2 * L_LEVELS
    return pl.pallas_call(
        _tc_body,
        grid=(n // bt,),
        in_specs=[
            pl.BlockSpec((bt, 3), lambda i: (i, 0)),
            pl.BlockSpec((bt, 2 * L_LEVELS), lambda i: (i, 0)),
        ],
        out_specs=pl.BlockSpec((bt, out_cols), lambda i: (i, 0)),
        out_shape=jax.ShapeDtypeStruct((n, out_cols), jnp.float32),
    )(x, hg)

# --- scband reference (transcript-rebuilt; emitter-appended) ---
"""Pipeline reference for scband-composed-embedder-326417515211 (READ-ONLY COPY).

The authoritative reference and input builder live on the scoring server;
editing this copy changes nothing except your own understanding.
"""

import jax, jax.numpy as jnp
import numpy as np

L, F, LOG2_T, BASE, MAXRES, D = 16, 2, 19, 16, 2048, 3
T = 2 ** LOG2_T
PER_LEVEL_SCALE = float(np.exp((np.log(MAXRES) - np.log(BASE)) / (L - 1)))
PRIMES = (1, 2654435761, 805459861)
N_FREQ = 6


def _hashgrid(x, table):
    # Faithful multi-level hash grid encoding (tcnn 'HashGrid' semantics):
    # per level: trilinear interpolation of features gathered from a hash table.
    outs = []
    for l in range(L):
        scale = BASE * (PER_LEVEL_SCALE ** l) - 1.0
        res = int(np.ceil(scale)) + 1
        pos = x * scale + 0.5
        pos_grid = jnp.floor(pos)
        frac = pos - pos_grid
        grid = pos_grid.astype(jnp.uint32)
        feat = jnp.zeros((x.shape[0], F), dtype=table.dtype)
        dense = (res ** D) <= T
        for corner in range(2 ** D):
            bits = [(corner >> d) & 1 for d in range(D)]
            idx = grid + jnp.asarray(bits, dtype=jnp.uint32)
            if dense:
                index = idx[:, 0] + idx[:, 1] * jnp.uint32(res) + idx[:, 2] * jnp.uint32(res * res)
            else:
                index = (idx[:, 0] * jnp.uint32(PRIMES[0])) ^ (idx[:, 1] * jnp.uint32(PRIMES[1])) ^ (idx[:, 2] * jnp.uint32(PRIMES[2]))
            index = (index % jnp.uint32(T)).astype(jnp.int32)
            w = jnp.ones((x.shape[0],), dtype=x.dtype)
            for d in range(D):
                w = w * (frac[:, d] if bits[d] else (1.0 - frac[:, d]))
            feat = feat + w[:, None] * jnp.take(table[l], index, axis=0)
        outs.append(feat)
    return jnp.concatenate(outs, axis=-1)


def _freq_embed(x):
    # Embedder with include_input=False, log_sampling=True, periodic_fns=[sin, cos]
    freqs = 2.0 ** jnp.linspace(0.0, float(N_FREQ - 1), N_FREQ)
    parts = []
    for i in range(N_FREQ):
        parts.append(jnp.sin(x * freqs[i]))
        parts.append(jnp.cos(x * freqs[i]))
    return jnp.concatenate(parts, axis=-1)


def setup_inputs(seed: int = 0) -> dict:
    key = jax.random.key(seed)
    k1, k2 = jax.random.split(key)
    x = jax.random.uniform(k1, (1048576, 3), dtype=jnp.float32)
    # HashGrid learned params, init uniform(-1e-4, 1e-4) per module init
    table = jax.random.uniform(k2, (L, T, F), minval=-1e-4, maxval=1e-4, dtype=jnp.float32)
    return {"x": x, "table": table}


def reference(x, table):
    # efn_Identity: x * scale + offset
    ident = x * 1.0 + 0.0
    # efn_Frequency
    freq = _freq_embed(x)
    # efn_HashGrid via ScaledTCNN: x scaled by input_range [0, 1] (no-op here)
    xs = (x - 0.0) / 1.0
    hg = _hashgrid(xs, table)
    return jnp.concatenate([ident, freq, hg], axis=-1)

if __name__ == "__main__":
    import jax
    _d = setup_inputs()
    print(jax.jit(kernel)(*tuple(_d.values())))

</pallas_src>

<mosaic_0001>
#map = affine_map<(d0, d1) -> (0, 0)>
#map1 = affine_map<(d0, d1) -> (0)>
module attributes {stable_mosaic.version = 14 : i64} {
  func.func @_sc_body(%arg0: i32, %arg1: i32, %arg2: memref<3x1048576xf32, #tpu.memory_space<hbm>>, %arg3: memref<8388608x2xf32, #tpu.memory_space<hbm>>, %arg4: memref<3x16xi32, #tpu.memory_space<hbm>>, %arg5: memref<16xf32, #tpu.memory_space<hbm>>, %arg6: memref<1048576x32xf32, #tpu.memory_space<hbm>>, %arg7: memref<3x128xf32, #tpu.memory_space<vmem>>, %arg8: memref<3x16xi32, #tpu.memory_space<vmem>>, %arg9: memref<16xf32, #tpu.memory_space<vmem>>, %arg10: memref<128x128xi32, #tpu.memory_space<vmem>>, %arg11: memref<128x128xf32, #tpu.memory_space<vmem>>, %arg12: memref<2x1024x2xf32, #tpu.memory_space<vmem>>, %arg13: memref<128x32xf32, #tpu.memory_space<vmem>>, %arg14: memref<2x!tpu.dma_semaphore, #tpu.memory_space<semaphore_mem>>) attributes {dimension_semantics = [#tpu.dimension_semantics<core_parallel>, #tpu.dimension_semantics<subcore_parallel>], iteration_bounds = array<i64: 2, 16>, scalar_prefetch = 0 : i64, scratch_operands = 8 : i64, tpu.core_type = #tpu.core_type<sc_vector_subcore>, window_params = [{transform_indices = #map}, {transform_indices = #map}, {transform_indices = #map}, {transform_indices = #map1}, {transform_indices = #map}]} {
    %mul3A = arith.constant 2 : i32
    %mul3A_0 = arith.muli %arg1, %mul3A : i32
    %add3A = arith.addi %mul3A_0, %arg0 : i32
    "tpu.region"() ({
      %run_scoped3A = tpu.sem_alloc : memref<!tpu.dma_semaphore, #tpu.memory_space<semaphore_mem>>
      tpu.enqueue_dma source(%arg4 : memref<3x16xi32, #tpu.memory_space<hbm>>) target(%arg8 : memref<3x16xi32, #tpu.memory_space<vmem>>) target_semaphore(%run_scoped3A : memref<!tpu.dma_semaphore, #tpu.memory_space<semaphore_mem>>)
      tpu.wait_dma2 semaphore(%run_scoped3A : memref<!tpu.dma_semaphore, #tpu.memory_space<semaphore_mem>>) src(%arg4 : memref<3x16xi32, #tpu.memory_space<hbm>>) dst(%arg8 : memref<3x16xi32, #tpu.memory_space<vmem>>)
      tpu.yield
    }) : () -> ()
    "tpu.region"() ({
      %run_scoped3A = tpu.sem_alloc : memref<!tpu.dma_semaphore, #tpu.memory_space<semaphore_mem>>
      tpu.enqueue_dma source(%arg5 : memref<16xf32, #tpu.memory_space<hbm>>) target(%arg9 : memref<16xf32, #tpu.memory_space<vmem>>) target_semaphore(%run_scoped3A : memref<!tpu.dma_semaphore, #tpu.memory_space<semaphore_mem>>)
      tpu.wait_dma2 semaphore(%run_scoped3A : memref<!tpu.dma_semaphore, #tpu.memory_space<semaphore_mem>>) src(%arg5 : memref<16xf32, #tpu.memory_space<hbm>>) dst(%arg9 : memref<16xf32, #tpu.memory_space<vmem>>)
      tpu.yield
    }) : () -> ()
    %iota3A = tpu.iota {dimensions = array<i32: 0>} : vector<16xi32>
    %broadcast_in_dim3A = arith.constant 0 : i32
    %broadcast_in_dim3A_1 = vector.broadcast %broadcast_in_dim3A : i32 to vector<16xi32>
    %broadcast_in_dim3A_2 = arith.constant 1 : i32
    %broadcast_in_dim3A_3 = vector.broadcast %broadcast_in_dim3A_2 : i32 to vector<16xi32>
    %broadcast_in_dim3A_4 = arith.constant 5.000000e-01 : f32
    %broadcast_in_dim3A_5 = vector.broadcast %broadcast_in_dim3A_4 : f32 to vector<16xf32>
    %broadcast_in_dim3A_6 = arith.constant 1.000000e+00 : f32
    %broadcast_in_dim3A_7 = vector.broadcast %broadcast_in_dim3A_6 : f32 to vector<16xf32>
    %broadcast_in_dim3A_8 = arith.constant 524287 : i32
    %broadcast_in_dim3A_9 = vector.broadcast %broadcast_in_dim3A_8 : i32 to vector<16xi32>
    %scan3A = arith.constant 0 : i32
    %scan3A_10 = arith.constant 256 : i32
    %scan3A_11 = arith.addi %scan3A, %scan3A_10 : i32
    %scan3A_12 = arith.constant 1 : i32
    scf.for %scan3A_14 = %scan3A to %scan3A_11 step %scan3A_12  : i32 {
      %mul3A_15 = arith.constant 1 : i32
      %mul3A_16 = arith.muli %scan3A_14, %mul3A_15 : i32
      %add3A_17 = arith.constant 0 : i32
      %add3A_18 = arith.addi %add3A_17, %mul3A_16 : i32
      %mul3A_19 = arith.constant 32768 : i32
      %mul3A_20 = arith.muli %add3A, %mul3A_19 : i32
      %mul3A_21 = arith.constant 128 : i32
      %mul3A_22 = arith.muli %add3A_18, %mul3A_21 : i32
      %add3A_23 = arith.addi %mul3A_20, %mul3A_22 : i32
      "tpu.region"() ({
        %run_scoped3A = tpu.sem_alloc : memref<!tpu.dma_semaphore, #tpu.memory_space<semaphore_mem>>
        %dma_start3A = arith.constant 0 : i32
        %dma_start3A_165 = tpu.memref_slice %arg2[%dma_start3A, %add3A_23] : memref<3x1048576xf32, #tpu.memory_space<hbm>> -> memref<3x128xf32, #tpu.memory_space<hbm>>
        %dma_start3A_166 = arith.constant 0 : i32
        %dma_start3A_167 = tpu.memref_slice %arg2[%dma_start3A_166, %add3A_23] : memref<3x1048576xf32, #tpu.memory_space<hbm>> -> memref<3x128xf32, #tpu.memory_space<hbm>>
        tpu.enqueue_dma source(%dma_start3A_167 : memref<3x128xf32, #tpu.memory_space<hbm>>) target(%arg7 : memref<3x128xf32, #tpu.memory_space<vmem>>) target_semaphore(%run_scoped3A : memref<!tpu.dma_semaphore, #tpu.memory_space<semaphore_mem>>)
        %dma_wait3A_168 = arith.constant 0 : i32
        %dma_wait3A_169 = tpu.memref_slice %arg2[%dma_wait3A_168, %add3A_23] : memref<3x1048576xf32, #tpu.memory_space<hbm>> -> memref<3x128xf32, #tpu.memory_space<hbm>>
        %dma_wait3A_170 = arith.constant 0 : i32
        %dma_wait3A_171 = tpu.memref_slice %arg2[%dma_wait3A_170, %add3A_23] : memref<3x1048576xf32, #tpu.memory_space<hbm>> -> memref<3x128xf32, #tpu.memory_space<hbm>>
        tpu.wait_dma2 semaphore(%run_scoped3A : memref<!tpu.dma_semaphore, #tpu.memory_space<semaphore_mem>>) src(%dma_wait3A_171 : memref<3x128xf32, #tpu.memory_space<hbm>>) dst(%arg7 : memref<3x128xf32, #tpu.memory_space<vmem>>)
        tpu.yield
      }) : () -> ()
      %scan3A_24 = arith.constant 0 : i32
      %scan3A_25 = arith.constant 16 : i32
      %scan3A_26 = arith.addi %scan3A_24, %scan3A_25 : i32
      %scan3A_27 = arith.constant 1 : i32
      scf.for %scan3A_165 = %scan3A_24 to %scan3A_26 step %scan3A_27  : i32 {
        %mul3A_166 = arith.constant 1 : i32
        %mul3A_167 = arith.muli %scan3A_165, %mul3A_166 : i32
        %add3A_168 = arith.constant 0 : i32
        %add3A_169 = arith.addi %add3A_168, %mul3A_167 : i32
        %broadcast_in_dim3A_170 = vector.broadcast %add3A_169 : i32 to vector<16xi32>
        %gather3A = tpu.vector_load_idx %arg9[%broadcast_in_dim3A_170] : memref<16xf32, #tpu.memory_space<vmem>>[vector<16xi32>], vector<16xf32>,
        %gather3A_171 = tpu.vector_load_idx %arg8[%broadcast_in_dim3A_1, %broadcast_in_dim3A_170] : memref<3x16xi32, #tpu.memory_space<vmem>>[vector<16xi32>, vector<16xi32>], vector<16xi32>,
        %gather3A_172 = tpu.vector_load_idx %arg8[%broadcast_in_dim3A_3, %broadcast_in_dim3A_170] : memref<3x16xi32, #tpu.memory_space<vmem>>[vector<16xi32>, vector<16xi32>], vector<16xi32>,
        %add3A_173 = arith.addi %broadcast_in_dim3A_3, %broadcast_in_dim3A_3 : vector<16xi32>
        %gather3A_174 = tpu.vector_load_idx %arg8[%add3A_173, %broadcast_in_dim3A_170] : memref<3x16xi32, #tpu.memory_space<vmem>>[vector<16xi32>, vector<16xi32>], vector<16xi32>,
        %gt3A = arith.constant 0 : i32
        %gt3A_175 = vector.broadcast %gt3A : i32 to vector<16xi32>
        %gt3A_176 = arith.cmpi sgt, %gather3A_174, %gt3A_175 : vector<16xi32>
        %mul3A_177 = arith.constant 524288 : i32
        %mul3A_178 = arith.muli %add3A_169, %mul3A_177 : i32
        %broadcast_in_dim3A_179 = vector.broadcast %mul3A_178 : i32 to vector<16xi32>
        %scan3A_180 = arith.constant 0 : i32
        %scan3A_181 = arith.constant 8 : i32
        %scan3A_182 = arith.addi %scan3A_180, %scan3A_181 : i32
        %scan3A_183 = arith.constant 1 : i32
        scf.for %scan3A_185 = %scan3A_180 to %scan3A_182 step %scan3A_183  : i32 {
          %mul3A_186 = arith.constant 1 : i32
          %mul3A_187 = arith.muli %scan3A_185, %mul3A_186 : i32
          %add3A_188 = arith.constant 0 : i32
          %add3A_189 = arith.addi %add3A_188, %mul3A_187 : i32
          %mul3A_190 = arith.constant 16 : i32
          %mul3A_191 = arith.muli %add3A_189, %mul3A_190 : i32
          %get3A = arith.constant 0 : i32
          %get3A_192 = arith.index_cast %get3A : i32 to index
          %get3A_193 = arith.index_cast %mul3A_191 : i32 to index
          %get3A_194 = tpu.vector_load %arg7[%get3A_192, %get3A_193] {strides = array<i32>} : memref<3x128xf32, #tpu.memory_space<vmem>>, vector<16xf32>,
          %get3A_195 = arith.constant 1 : i32
          %get3A_196 = arith.index_cast %get3A_195 : i32 to index
          %get3A_197 = arith.index_cast %mul3A_191 : i32 to index
          %get3A_198 = tpu.vector_load %arg7[%get3A_196, %get3A_197] {strides = array<i32>} : memref<3x128xf32, #tpu.memory_space<vmem>>, vector<16xf32>,
          %get3A_199 = arith.constant 2 : i32
          %get3A_200 = arith.index_cast %get3A_199 : i32 to index
          %get3A_201 = arith.index_cast %mul3A_191 : i32 to index
          %get3A_202 = tpu.vector_load %arg7[%get3A_200, %get3A_201] {strides = array<i32>} : memref<3x128xf32, #tpu.memory_space<vmem>>, vector<16xf32>,
          %mul3A_203 = arith.mulf %get3A_194, %gather3A : vector<16xf32>
          %add3A_204 = arith.addf %mul3A_203, %broadcast_in_dim3A_5 : vector<16xf32>
          %mul3A_205 = arith.mulf %get3A_198, %gather3A : vector<16xf32>
          %add3A_206 = arith.addf %mul3A_205, %broadcast_in_dim3A_5 : vector<16xf32>
          %mul3A_207 = arith.mulf %get3A_202, %gather3A : vector<16xf32>
          %add3A_208 = arith.addf %mul3A_207, %broadcast_in_dim3A_5 : vector<16xf32>
          %convert_element_type3A = arith.fptosi %add3A_204 : vector<16xf32> to vector<16xi32>
          %convert_element_type3A_209 = arith.fptosi %add3A_206 : vector<16xf32> to vector<16xi32>
          %convert_element_type3A_210 = arith.fptosi %add3A_208 : vector<16xf32> to vector<16xi32>
          %convert_element_type3A_211 = arith.sitofp %convert_element_type3A : vector<16xi32> to vector<16xf32>
          %sub3A = arith.subf %add3A_204, %convert_element_type3A_211 : vector<16xf32>
          %convert_element_type3A_212 = arith.sitofp %convert_element_type3A_209 : vector<16xi32> to vector<16xf32>
          %sub3A_213 = arith.subf %add3A_206, %convert_element_type3A_212 : vector<16xf32>
          %convert_element_type3A_214 = arith.sitofp %convert_element_type3A_210 : vector<16xi32> to vector<16xf32>
          %sub3A_215 = arith.subf %add3A_208, %convert_element_type3A_214 : vector<16xf32>
          %add3A_216 = arith.constant 1 : i32
          %add3A_217 = vector.broadcast %add3A_216 : i32 to vector<16xi32>
          %add3A_218 = arith.addi %convert_element_type3A, %add3A_217 : vector<16xi32>
          %mul3A_219 = arith.muli %convert_element_type3A_209, %gather3A_171 : vector<16xi32>
          %mul3A_220 = arith.muli %convert_element_type3A_209, %gather3A_171 : vector<16xi32>
          %add3A_221 = arith.addi %mul3A_220, %gather3A_171 : vector<16xi32>
          %mul3A_222 = arith.muli %convert_element_type3A_210, %gather3A_172 : vector<16xi32>
          %mul3A_223 = arith.muli %convert_element_type3A_210, %gather3A_172 : vector<16xi32>
          %add3A_224 = arith.addi %mul3A_223, %gather3A_172 : vector<16xi32>
          %sub3A_225 = arith.subf %broadcast_in_dim3A_7, %sub3A : vector<16xf32>
          %sub3A_226 = arith.subf %broadcast_in_dim3A_7, %sub3A_213 : vector<16xf32>
          %sub3A_227 = arith.subf %broadcast_in_dim3A_7, %sub3A_215 : vector<16xf32>
          %add3A_228 = arith.addi %mul3A_219, %mul3A_222 : vector<16xi32>
          %xor3A = arith.xori %mul3A_219, %mul3A_222 : vector<16xi32>
          %select_n3A = arith.select %gt3A_176, %add3A_228, %xor3A : vector<16xi1>, vector<16xi32>
          %add3A_229 = arith.addi %convert_element_type3A, %select_n3A : vector<16xi32>
          %xor3A_230 = arith.xori %convert_element_type3A, %select_n3A : vector<16xi32>
          %select_n3A_231 = arith.select %gt3A_176, %add3A_229, %xor3A_230 : vector<16xi1>, vector<16xi32>
          %and3A = arith.andi %select_n3A_231, %broadcast_in_dim3A_9 : vector<16xi32>
          %add3A_232 = arith.addi %and3A, %broadcast_in_dim3A_179 : vector<16xi32>
          %mul3A_233 = arith.constant 8 : i32
          %mul3A_234 = arith.muli %add3A_169, %mul3A_233 : i32
          %add3A_235 = arith.constant 0 : i32
          %add3A_236 = arith.addi %mul3A_234, %add3A_235 : i32
          %swap3A = arith.index_cast %add3A_236 : i32 to index
          %swap3A_237 = arith.index_cast %mul3A_191 : i32 to index
          %swap3A_238 = tpu.vector_load %arg10[%swap3A, %swap3A_237] {strides = array<i32>} : memref<128x128xi32, #tpu.memory_space<vmem>>, vector<16xi32>,
          tpu.vector_store %arg10[%swap3A, %swap3A_237], %add3A_232 {strides = array<i32>} : memref<128x128xi32, #tpu.memory_space<vmem>>, vector<16xi32>,
          %mul3A_239 = arith.mulf %sub3A_226, %sub3A_227 : vector<16xf32>
          %mul3A_240 = arith.mulf %sub3A_225, %mul3A_239 : vector<16xf32>
          %mul3A_241 = arith.constant 8 : i32
          %mul3A_242 = arith.muli %add3A_169, %mul3A_241 : i32
          %add3A_243 = arith.constant 0 : i32
          %add3A_244 = arith.addi %mul3A_242, %add3A_243 : i32
          %swap3A_245 = arith.index_cast %add3A_244 : i32 to index
          %swap3A_246 = arith.index_cast %mul3A_191 : i32 to index
          %swap3A_247 = tpu.vector_load %arg11[%swap3A_245, %swap3A_246] {strides = array<i32>} : memref<128x128xf32, #tpu.memory_space<vmem>>, vector<16xf32>,
          tpu.vector_store %arg11[%swap3A_245, %swap3A_246], %mul3A_240 {strides = array<i32>} : memref<128x128xf32, #tpu.memory_space<vmem>>, vector<16xf32>,
          %add3A_248 = arith.addi %mul3A_219, %mul3A_222 : vector<16xi32>
          %xor3A_249 = arith.xori %mul3A_219, %mul3A_222 : vector<16xi32>
          %select_n3A_250 = arith.select %gt3A_176, %add3A_248, %xor3A_249 : vector<16xi1>, vector<16xi32>
          %add3A_251 = arith.addi %add3A_218, %select_n3A_250 : vector<16xi32>
          %xor3A_252 = arith.xori %add3A_218, %select_n3A_250 : vector<16xi32>
          %select_n3A_253 = arith.select %gt3A_176, %add3A_251, %xor3A_252 : vector<16xi1>, vector<16xi32>
          %and3A_254 = arith.andi %select_n3A_253, %broadcast_in_dim3A_9 : vector<16xi32>
          %add3A_255 = arith.addi %and3A_254, %broadcast_in_dim3A_179 : vector<16xi32>
          %mul3A_256 = arith.constant 8 : i32
          %mul3A_257 = arith.muli %add3A_169, %mul3A_256 : i32
          %add3A_258 = arith.constant 1 : i32
          %add3A_259 = arith.addi %mul3A_257, %add3A_258 : i32
          %swap3A_260 = arith.index_cast %add3A_259 : i32 to index
          %swap3A_261 = arith.index_cast %mul3A_191 : i32 to index
          %swap3A_262 = tpu.vector_load %arg10[%swap3A_260, %swap3A_261] {strides = array<i32>} : memref<128x128xi32, #tpu.memory_space<vmem>>, vector<16xi32>,
          tpu.vector_store %arg10[%swap3A_260, %swap3A_261], %add3A_255 {strides = array<i32>} : memref<128x128xi32, #tpu.memory_space<vmem>>, vector<16xi32>,
          %mul3A_263 = arith.mulf %sub3A_226, %sub3A_227 : vector<16xf32>
          %mul3A_264 = arith.mulf %sub3A, %mul3A_263 : vector<16xf32>
          %mul3A_265 = arith.constant 8 : i32
          %mul3A_266 = arith.muli %add3A_169, %mul3A_265 : i32
          %add3A_267 = arith.constant 1 : i32
          %add3A_268 = arith.addi %mul3A_266, %add3A_267 : i32
          %swap3A_269 = arith.index_cast %add3A_268 : i32 to index
          %swap3A_270 = arith.index_cast %mul3A_191 : i32 to index
          %swap3A_271 = tpu.vector_load %arg11[%swap3A_269, %swap3A_270] {strides = array<i32>} : memref<128x128xf32, #tpu.memory_space<vmem>>, vector<16xf32>,
          tpu.vector_store %arg11[%swap3A_269, %swap3A_270], %mul3A_264 {strides = array<i32>} : memref<128x128xf32, #tpu.memory_space<vmem>>, vector<16xf32>,
          %add3A_272 = arith.addi %add3A_221, %mul3A_222 : vector<16xi32>
          %xor3A_273 = arith.xori %add3A_221, %mul3A_222 : vector<16xi32>
          %select_n3A_274 = arith.select %gt3A_176, %add3A_272, %xor3A_273 : vector<16xi1>, vector<16xi32>
          %add3A_275 = arith.addi %convert_element_type3A, %select_n3A_274 : vector<16xi32>
          %xor3A_276 = arith.xori %convert_element_type3A, %select_n3A_274 : vector<16xi32>
          %select_n3A_277 = arith.select %gt3A_176, %add3A_275, %xor3A_276 : vector<16xi1>, vector<16xi32>
          %and3A_278 = arith.andi %select_n3A_277, %broadcast_in_dim3A_9 : vector<16xi32>
          %add3A_279 = arith.addi %and3A_278, %broadcast_in_dim3A_179 : vector<16xi32>
          %mul3A_280 = arith.constant 8 : i32
          %mul3A_281 = arith.muli %add3A_169, %mul3A_280 : i32
          %add3A_282 = arith.constant 2 : i32
          %add3A_283 = arith.addi %mul3A_281, %add3A_282 : i32
          %swap3A_284 = arith.index_cast %add3A_283 : i32 to index
          %swap3A_285 = arith.index_cast %mul3A_191 : i32 to index
          %swap3A_286 = tpu.vector_load %arg10[%swap3A_284, %swap3A_285] {strides = array<i32>} : memref<128x128xi32, #tpu.memory_space<vmem>>, vector<16xi32>,
          tpu.vector_store %arg10[%swap3A_284, %swap3A_285], %add3A_279 {strides = array<i32>} : memref<128x128xi32, #tpu.memory_space<vmem>>, vector<16xi32>,
          %mul3A_287 = arith.mulf %sub3A_213, %sub3A_227 : vector<16xf32>
          %mul3A_288 = arith.mulf %sub3A_225, %mul3A_287 : vector<16xf32>
          %mul3A_289 = arith.constant 8 : i32
          %mul3A_290 = arith.muli %add3A_169, %mul3A_289 : i32
          %add3A_291 = arith.constant 2 : i32
          %add3A_292 = arith.addi %mul3A_290, %add3A_291 : i32
          %swap3A_293 = arith.index_cast %add3A_292 : i32 to index
          %swap3A_294 = arith.index_cast %mul3A_191 : i32 to index
          %swap3A_295 = tpu.vector_load %arg11[%swap3A_293, %swap3A_294] {strides = array<i32>} : memref<128x128xf32, #tpu.memory_space<vmem>>, vector<16xf32>,
          tpu.vector_store %arg11[%swap3A_293, %swap3A_294], %mul3A_288 {strides = array<i32>} : memref<128x128xf32, #tpu.memory_space<vmem>>, vector<16xf32>,
          %add3A_296 = arith.addi %add3A_221, %mul3A_222 : vector<16xi32>
          %xor3A_297 = arith.xori %add3A_221, %mul3A_222 : vector<16xi32>
          %select_n3A_298 = arith.select %gt3A_176, %add3A_296, %xor3A_297 : vector<16xi1>, vector<16xi32>
          %add3A_299 = arith.addi %add3A_218, %select_n3A_298 : vector<16xi32>
          %xor3A_300 = arith.xori %add3A_218, %select_n3A_298 : vector<16xi32>
          %select_n3A_301 = arith.select %gt3A_176, %add3A_299, %xor3A_300 : vector<16xi1>, vector<16xi32>
          %and3A_302 = arith.andi %select_n3A_301, %broadcast_in_dim3A_9 : vector<16xi32>
          %add3A_303 = arith.addi %and3A_302, %broadcast_in_dim3A_179 : vector<16xi32>
          %mul3A_304 = arith.constant 8 : i32
          %mul3A_305 = arith.muli %add3A_169, %mul3A_304 : i32
          %add3A_306 = arith.constant 3 : i32
          %add3A_307 = arith.addi %mul3A_305, %add3A_306 : i32
          %swap3A_308 = arith.index_cast %add3A_307 : i32 to index
          %swap3A_309 = arith.index_cast %mul3A_191 : i32 to index
          %swap3A_310 = tpu.vector_load %arg10[%swap3A_308, %swap3A_309] {strides = array<i32>} : memref<128x128xi32, #tpu.memory_space<vmem>>, vector<16xi32>,
          tpu.vector_store %arg10[%swap3A_308, %swap3A_309], %add3A_303 {strides = array<i32>} : memref<128x128xi32, #tpu.memory_space<vmem>>, vector<16xi32>,
          %mul3A_311 = arith.mulf %sub3A_213, %sub3A_227 : vector<16xf32>
          %mul3A_312 = arith.mulf %sub3A, %mul3A_311 : vector<16xf32>
          %mul3A_313 = arith.constant 8 : i32
          %mul3A_314 = arith.muli %add3A_169, %mul3A_313 : i32
          %add3A_315 = arith.constant 3 : i32
          %add3A_316 = arith.addi %mul3A_314, %add3A_315 : i32
          %swap3A_317 = arith.index_cast %add3A_316 : i32 to index
          %swap3A_318 = arith.index_cast %mul3A_191 : i32 to index
          %swap3A_319 = tpu.vector_load %arg11[%swap3A_317, %swap3A_318] {strides = array<i32>} : memref<128x128xf32, #tpu.memory_space<vmem>>, vector<16xf32>,
          tpu.vector_store %arg11[%swap3A_317, %swap3A_318], %mul3A_312 {strides = array<i32>} : memref<128x128xf32, #tpu.memory_space<vmem>>, vector<16xf32>,
          %add3A_320 = arith.addi %mul3A_219, %add3A_224 : vector<16xi32>
          %xor3A_321 = arith.xori %mul3A_219, %add3A_224 : vector<16xi32>
          %select_n3A_322 = arith.select %gt3A_176, %add3A_320, %xor3A_321 : vector<16xi1>, vector<16xi32>
          %add3A_323 = arith.addi %convert_element_type3A, %select_n3A_322 : vector<16xi32>
          %xor3A_324 = arith.xori %convert_element_type3A, %select_n3A_322 : vector<16xi32>
          %select_n3A_325 = arith.select %gt3A_176, %add3A_323, %xor3A_324 : vector<16xi1>, vector<16xi32>
          %and3A_326 = arith.andi %select_n3A_325, %broadcast_in_dim3A_9 : vector<16xi32>
          %add3A_327 = arith.addi %and3A_326, %broadcast_in_dim3A_179 : vector<16xi32>
          %mul3A_328 = arith.constant 8 : i32
          %mul3A_329 = arith.muli %add3A_169, %mul3A_328 : i32
          %add3A_330 = arith.constant 4 : i32
          %add3A_331 = arith.addi %mul3A_329, %add3A_330 : i32
          %swap3A_332 = arith.index_cast %add3A_331 : i32 to index
          %swap3A_333 = arith.index_cast %mul3A_191 : i32 to index
          %swap3A_334 = tpu.vector_load %arg10[%swap3A_332, %swap3A_333] {strides = array<i32>} : memref<128x128xi32, #tpu.memory_space<vmem>>, vector<16xi32>,
          tpu.vector_store %arg10[%swap3A_332, %swap3A_333], %add3A_327 {strides = array<i32>} : memref<128x128xi32, #tpu.memory_space<vmem>>, vector<16xi32>,
          %mul3A_335 = arith.mulf %sub3A_226, %sub3A_215 : vector<16xf32>
          %mul3A_336 = arith.mulf %sub3A_225, %mul3A_335 : vector<16xf32>
          %mul3A_337 = arith.constant 8 : i32
          %mul3A_338 = arith.muli %add3A_169, %mul3A_337 : i32
          %add3A_339 = arith.constant 4 : i32
          %add3A_340 = arith.addi %mul3A_338, %add3A_339 : i32
          %swap3A_341 = arith.index_cast %add3A_340 : i32 to index
          %swap3A_342 = arith.index_cast %mul3A_191 : i32 to index
          %swap3A_343 = tpu.vector_load %arg11[%swap3A_341, %swap3A_342] {strides = array<i32>} : memref<128x128xf32, #tpu.memory_space<vmem>>, vector<16xf32>,
          tpu.vector_store %arg11[%swap3A_341, %swap3A_342], %mul3A_336 {strides = array<i32>} : memref<128x128xf32, #tpu.memory_space<vmem>>, vector<16xf32>,
          %add3A_344 = arith.addi %mul3A_219, %add3A_224 : vector<16xi32>
          %xor3A_345 = arith.xori %mul3A_219, %add3A_224 : vector<16xi32>
          %select_n3A_346 = arith.select %gt3A_176, %add3A_344, %xor3A_345 : vector<16xi1>, vector<16xi32>
          %add3A_347 = arith.addi %add3A_218, %select_n3A_346 : vector<16xi32>
          %xor3A_348 = arith.xori %add3A_218, %select_n3A_346 : vector<16xi32>
          %select_n3A_349 = arith.select %gt3A_176, %add3A_347, %xor3A_348 : vector<16xi1>, vector<16xi32>
          %and3A_350 = arith.andi %select_n3A_349, %broadcast_in_dim3A_9 : vector<16xi32>
          %add3A_351 = arith.addi %and3A_350, %broadcast_in_dim3A_179 : vector<16xi32>
          %mul3A_352 = arith.constant 8 : i32
          %mul3A_353 = arith.muli %add3A_169, %mul3A_352 : i32
          %add3A_354 = arith.constant 5 : i32
          %add3A_355 = arith.addi %mul3A_353, %add3A_354 : i32
          %swap3A_356 = arith.index_cast %add3A_355 : i32 to index
          %swap3A_357 = arith.index_cast %mul3A_191 : i32 to index
          %swap3A_358 = tpu.vector_load %arg10[%swap3A_356, %swap3A_357] {strides = array<i32>} : memref<128x128xi32, #tpu.memory_space<vmem>>, vector<16xi32>,
          tpu.vector_store %arg10[%swap3A_356, %swap3A_357], %add3A_351 {strides = array<i32>} : memref<128x128xi32, #tpu.memory_space<vmem>>, vector<16xi32>,
          %mul3A_359 = arith.mulf %sub3A_226, %sub3A_215 : vector<16xf32>
          %mul3A_360 = arith.mulf %sub3A, %mul3A_359 : vector<16xf32>
          %mul3A_361 = arith.constant 8 : i32
          %mul3A_362 = arith.muli %add3A_169, %mul3A_361 : i32
          %add3A_363 = arith.constant 5 : i32
          %add3A_364 = arith.addi %mul3A_362, %add3A_363 : i32
          %swap3A_365 = arith.index_cast %add3A_364 : i32 to index
          %swap3A_366 = arith.index_cast %mul3A_191 : i32 to index
          %swap3A_367 = tpu.vector_load %arg11[%swap3A_365, %swap3A_366] {strides = array<i32>} : memref<128x128xf32, #tpu.memory_space<vmem>>, vector<16xf32>,
          tpu.vector_store %arg11[%swap3A_365, %swap3A_366], %mul3A_360 {strides = array<i32>} : memref<128x128xf32, #tpu.memory_space<vmem>>, vector<16xf32>,
          %add3A_368 = arith.addi %add3A_221, %add3A_224 : vector<16xi32>
          %xor3A_369 = arith.xori %add3A_221, %add3A_224 : vector<16xi32>
          %select_n3A_370 = arith.select %gt3A_176, %add3A_368, %xor3A_369 : vector<16xi1>, vector<16xi32>
          %add3A_371 = arith.addi %convert_element_type3A, %select_n3A_370 : vector<16xi32>
          %xor3A_372 = arith.xori %convert_element_type3A, %select_n3A_370 : vector<16xi32>
          %select_n3A_373 = arith.select %gt3A_176, %add3A_371, %xor3A_372 : vector<16xi1>, vector<16xi32>
          %and3A_374 = arith.andi %select_n3A_373, %broadcast_in_dim3A_9 : vector<16xi32>
          %add3A_375 = arith.addi %and3A_374, %broadcast_in_dim3A_179 : vector<16xi32>
          %mul3A_376 = arith.constant 8 : i32
          %mul3A_377 = arith.muli %add3A_169, %mul3A_376 : i32
          %add3A_378 = arith.constant 6 : i32
          %add3A_379 = arith.addi %mul3A_377, %add3A_378 : i32
          %swap3A_380 = arith.index_cast %add3A_379 : i32 to index
          %swap3A_381 = arith.index_cast %mul3A_191 : i32 to index
          %swap3A_382 = tpu.vector_load %arg10[%swap3A_380, %swap3A_381] {strides = array<i32>} : memref<128x128xi32, #tpu.memory_space<vmem>>, vector<16xi32>,
          tpu.vector_store %arg10[%swap3A_380, %swap3A_381], %add3A_375 {strides = array<i32>} : memref<128x128xi32, #tpu.memory_space<vmem>>, vector<16xi32>,
          %mul3A_383 = arith.mulf %sub3A_213, %sub3A_215 : vector<16xf32>
          %mul3A_384 = arith.mulf %sub3A_225, %mul3A_383 : vector<16xf32>
          %mul3A_385 = arith.constant 8 : i32
          %mul3A_386 = arith.muli %add3A_169, %mul3A_385 : i32
          %add3A_387 = arith.constant 6 : i32
          %add3A_388 = arith.addi %mul3A_386, %add3A_387 : i32
          %swap3A_389 = arith.index_cast %add3A_388 : i32 to index
          %swap3A_390 = arith.index_cast %mul3A_191 : i32 to index
          %swap3A_391 = tpu.vector_load %arg11[%swap3A_389, %swap3A_390] {strides = array<i32>} : memref<128x128xf32, #tpu.memory_space<vmem>>, vector<16xf32>,
          tpu.vector_store %arg11[%swap3A_389, %swap3A_390], %mul3A_384 {strides = array<i32>} : memref<128x128xf32, #tpu.memory_space<vmem>>, vector<16xf32>,
          %add3A_392 = arith.addi %add3A_221, %add3A_224 : vector<16xi32>
          %xor3A_393 = arith.xori %add3A_221, %add3A_224 : vector<16xi32>
          %select_n3A_394 = arith.select %gt3A_176, %add3A_392, %xor3A_393 : vector<16xi1>, vector<16xi32>
          %add3A_395 = arith.addi %add3A_218, %select_n3A_394 : vector<16xi32>
          %xor3A_396 = arith.xori %add3A_218, %select_n3A_394 : vector<16xi32>
          %select_n3A_397 = arith.select %gt3A_176, %add3A_395, %xor3A_396 : vector<16xi1>, vector<16xi32>
          %and3A_398 = arith.andi %select_n3A_397, %broadcast_in_dim3A_9 : vector<16xi32>
          %add3A_399 = arith.addi %and3A_398, %broadcast_in_dim3A_179 : vector<16xi32>
          %mul3A_400 = arith.constant 8 : i32
          %mul3A_401 = arith.muli %add3A_169, %mul3A_400 : i32
          %add3A_402 = arith.constant 7 : i32
          %add3A_403 = arith.addi %mul3A_401, %add3A_402 : i32
          %swap3A_404 = arith.index_cast %add3A_403 : i32 to index
          %swap3A_405 = arith.index_cast %mul3A_191 : i32 to index
          %swap3A_406 = tpu.vector_load %arg10[%swap3A_404, %swap3A_405] {strides = array<i32>} : memref<128x128xi32, #tpu.memory_space<vmem>>, vector<16xi32>,
          tpu.vector_store %arg10[%swap3A_404, %swap3A_405], %add3A_399 {strides = array<i32>} : memref<128x128xi32, #tpu.memory_space<vmem>>, vector<16xi32>,
          %mul3A_407 = arith.mulf %sub3A_213, %sub3A_215 : vector<16xf32>
          %mul3A_408 = arith.mulf %sub3A, %mul3A_407 : vector<16xf32>
          %mul3A_409 = arith.constant 8 : i32
          %mul3A_410 = arith.muli %add3A_169, %mul3A_409 : i32
          %add3A_411 = arith.constant 7 : i32
          %add3A_412 = arith.addi %mul3A_410, %add3A_411 : i32
          %swap3A_413 = arith.index_cast %add3A_412 : i32 to index
          %swap3A_414 = arith.index_cast %mul3A_191 : i32 to index
          %swap3A_415 = tpu.vector_load %arg11[%swap3A_413, %swap3A_414] {strides = array<i32>} : memref<128x128xf32, #tpu.memory_space<vmem>>, vector<16xf32>,
          tpu.vector_store %arg11[%swap3A_413, %swap3A_414], %mul3A_408 {strides = array<i32>} : memref<128x128xf32, #tpu.memory_space<vmem>>, vector<16xf32>,
        }
        %scan3A_184 = arith.constant 8 : i32
      }
      %scan3A_28 = arith.constant 16 : i32
      %scan3A_29 = arith.constant 0 : i32
      %scan3A_30 = arith.constant 16 : i32
      %scan3A_31 = arith.addi %scan3A_29, %scan3A_30 : i32
      %scan3A_32 = arith.constant 1 : i32
      scf.for %scan3A_165 = %scan3A_29 to %scan3A_31 step %scan3A_32  : i32 {
        %mul3A_166 = arith.constant 1 : i32
        %mul3A_167 = arith.muli %scan3A_165, %mul3A_166 : i32
        %add3A_168 = arith.constant 0 : i32
        %add3A_169 = arith.addi %add3A_168, %mul3A_167 : i32
        %and3A = arith.constant 1 : i32
        %and3A_170 = arith.andi %add3A_169, %and3A : i32
        %mul3A_171 = arith.constant 8 : i32
        %mul3A_172 = arith.muli %add3A_169, %mul3A_171 : i32
        %add3A_173 = arith.constant 0 : i32
        %add3A_174 = arith.addi %mul3A_172, %add3A_173 : i32
        %and3A_175 = arith.constant 1 : i32
        %and3A_176 = arith.andi %add3A_169, %and3A_175 : i32
        %dma_start3A = arith.constant 0 : i32
        %dma_start3A_177 = arith.constant 0 : i32
        %dma_start3A_178 = tpu.memref_slice %arg12[%and3A_176, %dma_start3A, %dma_start3A_177] : memref<2x1024x2xf32, #tpu.memory_space<vmem>> -> memref<1x128x2xf32, #tpu.memory_space<vmem>>
        %dma_start3A_179 = tpu.memref_squeeze %dma_start3A_178 : memref<1x128x2xf32, #tpu.memory_space<vmem>> -> memref<128x2xf32, #tpu.memory_space<vmem>>
        %dma_start3A_180 = arith.constant 0 : i32
        %dma_start3A_181 = tpu.memref_slice %arg10[%add3A_174, %dma_start3A_180] : memref<128x128xi32, #tpu.memory_space<vmem>> -> memref<1x128xi32, #tpu.memory_space<vmem>>
        %dma_start3A_182 = tpu.memref_squeeze %dma_start3A_181 : memref<1x128xi32, #tpu.memory_space<vmem>> -> memref<128xi32, #tpu.memory_space<vmem>>
        %dma_start3A_183 = arith.constant 0 : i32
        %dma_start3A_184 = arith.constant 0 : i32
        %dma_start3A_185 = tpu.memref_slice %arg3[%dma_start3A_183, %dma_start3A_184] : memref<8388608x2xf32, #tpu.memory_space<hbm>> -> memref<8388608x2xf32, #tpu.memory_space<hbm>>
        %dma_start3A_186 = tpu.memref_slice %arg14[%and3A_170] : memref<2x!tpu.dma_semaphore, #tpu.memory_space<semaphore_mem>> -> memref<1x!tpu.dma_semaphore, #tpu.memory_space<semaphore_mem>>
        %dma_start3A_187 = tpu.memref_squeeze %dma_start3A_186 : memref<1x!tpu.dma_semaphore, #tpu.memory_space<semaphore_mem>> -> memref<!tpu.dma_semaphore, #tpu.memory_space<semaphore_mem>>
        tpu.enqueue_indirect_dma source(%dma_start3A_185 : memref<8388608x2xf32, #tpu.memory_space<hbm>>) target(%dma_start3A_179 : memref<128x2xf32, #tpu.memory_space<vmem>>) offsets(%dma_start3A_182 : memref<128xi32, #tpu.memory_space<vmem>>) semaphore(%dma_start3A_187 : memref<!tpu.dma_semaphore, #tpu.memory_space<semaphore_mem>>)
        %mul3A_188 = arith.constant 8 : i32
        %mul3A_189 = arith.muli %add3A_169, %mul3A_188 : i32
        %add3A_190 = arith.constant 1 : i32
        %add3A_191 = arith.addi %mul3A_189, %add3A_190 : i32
        %and3A_192 = arith.constant 1 : i32
        %and3A_193 = arith.andi %add3A_169, %and3A_192 : i32
        %dma_start3A_194 = arith.constant 128 : i32
        %dma_start3A_195 = arith.constant 0 : i32
        %dma_start3A_196 = tpu.memref_slice %arg12[%and3A_193, %dma_start3A_194, %dma_start3A_195] : memref<2x1024x2xf32, #tpu.memory_space<vmem>> -> memref<1x128x2xf32, #tpu.memory_space<vmem>>
        %dma_start3A_197 = tpu.memref_squeeze %dma_start3A_196 : memref<1x128x2xf32, #tpu.memory_space<vmem>> -> memref<128x2xf32, #tpu.memory_space<vmem>>
        %dma_start3A_198 = arith.constant 0 : i32
        %dma_start3A_199 = tpu.memref_slice %arg10[%add3A_191, %dma_start3A_198] : memref<128x128xi32, #tpu.memory_space<vmem>> -> memref<1x128xi32, #tpu.memory_space<vmem>>
        %dma_start3A_200 = tpu.memref_squeeze %dma_start3A_199 : memref<1x128xi32, #tpu.memory_space<vmem>> -> memref<128xi32, #tpu.memory_space<vmem>>
        %dma_start3A_201 = arith.constant 0 : i32
        %dma_start3A_202 = arith.constant 0 : i32
        %dma_start3A_203 = tpu.memref_slice %arg3[%dma_start3A_201, %dma_start3A_202] : memref<8388608x2xf32, #tpu.memory_space<hbm>> -> memref<8388608x2xf32, #tpu.memory_space<hbm>>
        %dma_start3A_204 = tpu.memref_slice %arg14[%and3A_170] : memref<2x!tpu.dma_semaphore, #tpu.memory_space<semaphore_mem>> -> memref<1x!tpu.dma_semaphore, #tpu.memory_space<semaphore_mem>>
        %dma_start3A_205 = tpu.memref_squeeze %dma_start3A_204 : memref<1x!tpu.dma_semaphore, #tpu.memory_space<semaphore_mem>> -> memref<!tpu.dma_semaphore, #tpu.memory_space<semaphore_mem>>
        tpu.enqueue_indirect_dma source(%dma_start3A_203 : memref<8388608x2xf32, #tpu.memory_space<hbm>>) target(%dma_start3A_197 : memref<128x2xf32, #tpu.memory_space<vmem>>) offsets(%dma_start3A_200 : memref<128xi32, #tpu.memory_space<vmem>>) semaphore(%dma_start3A_205 : memref<!tpu.dma_semaphore, #tpu.memory_space<semaphore_mem>>)
        %mul3A_206 = arith.constant 8 : i32
        %mul3A_207 = arith.muli %add3A_169, %mul3A_206 : i32
        %add3A_208 = arith.constant 2 : i32
        %add3A_209 = arith.addi %mul3A_207, %add3A_208 : i32
        %and3A_210 = arith.constant 1 : i32
        %and3A_211 = arith.andi %add3A_169, %and3A_210 : i32
        %dma_start3A_212 = arith.constant 256 : i32
        %dma_start3A_213 = arith.constant 0 : i32
        %dma_start3A_214 = tpu.memref_slice %arg12[%and3A_211, %dma_start3A_212, %dma_start3A_213] : memref<2x1024x2xf32, #tpu.memory_space<vmem>> -> memref<1x128x2xf32, #tpu.memory_space<vmem>>
        %dma_start3A_215 = tpu.memref_squeeze %dma_start3A_214 : memref<1x128x2xf32, #tpu.memory_space<vmem>> -> memref<128x2xf32, #tpu.memory_space<vmem>>
        %dma_start3A_216 = arith.constant 0 : i32
        %dma_start3A_217 = tpu.memref_slice %arg10[%add3A_209, %dma_start3A_216] : memref<128x128xi32, #tpu.memory_space<vmem>> -> memref<1x128xi32, #tpu.memory_space<vmem>>
        %dma_start3A_218 = tpu.memref_squeeze %dma_start3A_217 : memref<1x128xi32, #tpu.memory_space<vmem>> -> memref<128xi32, #tpu.memory_space<vmem>>
        %dma_start3A_219 = arith.constant 0 : i32
        %dma_start3A_220 = arith.constant 0 : i32
        %dma_start3A_221 = tpu.memref_slice %arg3[%dma_start3A_219, %dma_start3A_220] : memref<8388608x2xf32, #tpu.memory_space<hbm>> -> memref<8388608x2xf32, #tpu.memory_space<hbm>>
        %dma_start3A_222 = tpu.memref_slice %arg14[%and3A_170] : memref<2x!tpu.dma_semaphore, #tpu.memory_space<semaphore_mem>> -> memref<1x!tpu.dma_semaphore, #tpu.memory_space<semaphore_mem>>
        %dma_start3A_223 = tpu.memref_squeeze %dma_start3A_222 : memref<1x!tpu.dma_semaphore, #tpu.memory_space<semaphore_mem>> -> memref<!tpu.dma_semaphore, #tpu.memory_space<semaphore_mem>>
        tpu.enqueue_indirect_dma source(%dma_start3A_221 : memref<8388608x2xf32, #tpu.memory_space<hbm>>) target(%dma_start3A_215 : memref<128x2xf32, #tpu.memory_space<vmem>>) offsets(%dma_start3A_218 : memref<128xi32, #tpu.memory_space<vmem>>) semaphore(%dma_start3A_223 : memref<!tpu.dma_semaphore, #tpu.memory_space<semaphore_mem>>)
        %mul3A_224 = arith.constant 8 : i32
        %mul3A_225 = arith.muli %add3A_169, %mul3A_224 : i32
        %add3A_226 = arith.constant 3 : i32
        %add3A_227 = arith.addi %mul3A_225, %add3A_226 : i32
        %and3A_228 = arith.constant 1 : i32
        %and3A_229 = arith.andi %add3A_169, %and3A_228 : i32
        %dma_start3A_230 = arith.constant 384 : i32
        %dma_start3A_231 = arith.constant 0 : i32
        %dma_start3A_232 = tpu.memref_slice %arg12[%and3A_229, %dma_start3A_230, %dma_start3A_231] : memref<2x1024x2xf32, #tpu.memory_space<vmem>> -> memref<1x128x2xf32, #tpu.memory_space<vmem>>
        %dma_start3A_233 = tpu.memref_squeeze %dma_start3A_232 : memref<1x128x2xf32, #tpu.memory_space<vmem>> -> memref<128x2xf32, #tpu.memory_space<vmem>>
        %dma_start3A_234 = arith.constant 0 : i32
        %dma_start3A_235 = tpu.memref_slice %arg10[%add3A_227, %dma_start3A_234] : memref<128x128xi32, #tpu.memory_space<vmem>> -> memref<1x128xi32, #tpu.memory_space<vmem>>
        %dma_start3A_236 = tpu.memref_squeeze %dma_start3A_235 : memref<1x128xi32, #tpu.memory_space<vmem>> -> memref<128xi32, #tpu.memory_space<vmem>>
        %dma_start3A_237 = arith.constant 0 : i32
        %dma_start3A_238 = arith.constant 0 : i32
        %dma_start3A_239 = tpu.memref_slice %arg3[%dma_start3A_237, %dma_start3A_238] : memref<8388608x2xf32, #tpu.memory_space<hbm>> -> memref<8388608x2xf32, #tpu.memory_space<hbm>>
        %dma_start3A_240 = tpu.memref_slice %arg14[%and3A_170] : memref<2x!tpu.dma_semaphore, #tpu.memory_space<semaphore_mem>> -> memref<1x!tpu.dma_semaphore, #tpu.memory_space<semaphore_mem>>
        %dma_start3A_241 = tpu.memref_squeeze %dma_start3A_240 : memref<1x!tpu.dma_semaphore, #tpu.memory_space<semaphore_mem>> -> memref<!tpu.dma_semaphore, #tpu.memory_space<semaphore_mem>>
        tpu.enqueue_indirect_dma source(%dma_start3A_239 : memref<8388608x2xf32, #tpu.memory_space<hbm>>) target(%dma_start3A_233 : memref<128x2xf32, #tpu.memory_space<vmem>>) offsets(%dma_start3A_236 : memref<128xi32, #tpu.memory_space<vmem>>) semaphore(%dma_start3A_241 : memref<!tpu.dma_semaphore, #tpu.memory_space<semaphore_mem>>)
        %mul3A_242 = arith.constant 8 : i32
        %mul3A_243 = arith.muli %add3A_169, %mul3A_242 : i32
        %add3A_244 = arith.constant 4 : i32
        %add3A_245 = arith.addi %mul3A_243, %add3A_244 : i32
        %and3A_246 = arith.constant 1 : i32
        %and3A_247 = arith.andi %add3A_169, %and3A_246 : i32
        %dma_start3A_248 = arith.constant 512 : i32
        %dma_start3A_249 = arith.constant 0 : i32
        %dma_start3A_250 = tpu.memref_slice %arg12[%and3A_247, %dma_start3A_248, %dma_start3A_249] : memref<2x1024x2xf32, #tpu.memory_space<vmem>> -> memref<1x128x2xf32, #tpu.memory_space<vmem>>
        %dma_start3A_251 = tpu.memref_squeeze %dma_start3A_250 : memref<1x128x2xf32, #tpu.memory_space<vmem>> -> memref<128x2xf32, #tpu.memory_space<vmem>>
        %dma_start3A_252 = arith.constant 0 : i32
        %dma_start3A_253 = tpu.memref_slice %arg10[%add3A_245, %dma_start3A_252] : memref<128x128xi32, #tpu.memory_space<vmem>> -> memref<1x128xi32, #tpu.memory_space<vmem>>
        %dma_start3A_254 = tpu.memref_squeeze %dma_start3A_253 : memref<1x128xi32, #tpu.memory_space<vmem>> -> memref<128xi32, #tpu.memory_space<vmem>>
        %dma_start3A_255 = arith.constant 0 : i32
        %dma_start3A_256 = arith.constant 0 : i32
        %dma_start3A_257 = tpu.memref_slice %arg3[%dma_start3A_255, %dma_start3A_256] : memref<8388608x2xf32, #tpu.memory_space<hbm>> -> memref<8388608x2xf32, #tpu.memory_space<hbm>>
        %dma_start3A_258 = tpu.memref_slice %arg14[%and3A_170] : memref<2x!tpu.dma_semaphore, #tpu.memory_space<semaphore_mem>> -> memref<1x!tpu.dma_semaphore, #tpu.memory_space<semaphore_mem>>
        %dma_start3A_259 = tpu.memref_squeeze %dma_start3A_258 : memref<1x!tpu.dma_semaphore, #tpu.memory_space<semaphore_mem>> -> memref<!tpu.dma_semaphore, #tpu.memory_space<semaphore_mem>>
        tpu.enqueue_indirect_dma source(%dma_start3A_257 : memref<8388608x2xf32, #tpu.memory_space<hbm>>) target(%dma_start3A_251 : memref<128x2xf32, #tpu.memory_space<vmem>>) offsets(%dma_start3A_254 : memref<128xi32, #tpu.memory_space<vmem>>) semaphore(%dma_start3A_259 : memref<!tpu.dma_semaphore, #tpu.memory_space<semaphore_mem>>)
        %mul3A_260 = arith.constant 8 : i32
        %mul3A_261 = arith.muli %add3A_169, %mul3A_260 : i32
        %add3A_262 = arith.constant 5 : i32
        %add3A_263 = arith.addi %mul3A_261, %add3A_262 : i32
        %and3A_264 = arith.constant 1 : i32
        %and3A_265 = arith.andi %add3A_169, %and3A_264 : i32
        %dma_start3A_266 = arith.constant 640 : i32
        %dma_start3A_267 = arith.constant 0 : i32
        %dma_start3A_268 = tpu.memref_slice %arg12[%and3A_265, %dma_start3A_266, %dma_start3A_267] : memref<2x1024x2xf32, #tpu.memory_space<vmem>> -> memref<1x128x2xf32, #tpu.memory_space<vmem>>
        %dma_start3A_269 = tpu.memref_squeeze %dma_start3A_268 : memref<1x128x2xf32, #tpu.memory_space<vmem>> -> memref<128x2xf32, #tpu.memory_space<vmem>>
        %dma_start3A_270 = arith.constant 0 : i32
        %dma_start3A_271 = tpu.memref_slice %arg10[%add3A_263, %dma_start3A_270] : memref<128x128xi32, #tpu.memory_space<vmem>> -> memref<1x128xi32, #tpu.memory_space<vmem>>
        %dma_start3A_272 = tpu.memref_squeeze %dma_start3A_271 : memref<1x128xi32, #tpu.memory_space<vmem>> -> memref<128xi32, #tpu.memory_space<vmem>>
        %dma_start3A_273 = arith.constant 0 : i32
        %dma_start3A_274 = arith.constant 0 : i32
        %dma_start3A_275 = tpu.memref_slice %arg3[%dma_start3A_273, %dma_start3A_274] : memref<8388608x2xf32, #tpu.memory_space<hbm>> -> memref<8388608x2xf32, #tpu.memory_space<hbm>>
        %dma_start3A_276 = tpu.memref_slice %arg14[%and3A_170] : memref<2x!tpu.dma_semaphore, #tpu.memory_space<semaphore_mem>> -> memref<1x!tpu.dma_semaphore, #tpu.memory_space<semaphore_mem>>
        %dma_start3A_277 = tpu.memref_squeeze %dma_start3A_276 : memref<1x!tpu.dma_semaphore, #tpu.memory_space<semaphore_mem>> -> memref<!tpu.dma_semaphore, #tpu.memory_space<semaphore_mem>>
        tpu.enqueue_indirect_dma source(%dma_start3A_275 : memref<8388608x2xf32, #tpu.memory_space<hbm>>) target(%dma_start3A_269 : memref<128x2xf32, #tpu.memory_space<vmem>>) offsets(%dma_start3A_272 : memref<128xi32, #tpu.memory_space<vmem>>) semaphore(%dma_start3A_277 : memref<!tpu.dma_semaphore, #tpu.memory_space<semaphore_mem>>)
        %mul3A_278 = arith.constant 8 : i32
        %mul3A_279 = arith.muli %add3A_169, %mul3A_278 : i32
        %add3A_280 = arith.constant 6 : i32
        %add3A_281 = arith.addi %mul3A_279, %add3A_280 : i32
        %and3A_282 = arith.constant 1 : i32
        %and3A_283 = arith.andi %add3A_169, %and3A_282 : i32
        %dma_start3A_284 = arith.constant 768 : i32
        %dma_start3A_285 = arith.constant 0 : i32
        %dma_start3A_286 = tpu.memref_slice %arg12[%and3A_283, %dma_start3A_284, %dma_start3A_285] : memref<2x1024x2xf32, #tpu.memory_space<vmem>> -> memref<1x128x2xf32, #tpu.memory_space<vmem>>
        %dma_start3A_287 = tpu.memref_squeeze %dma_start3A_286 : memref<1x128x2xf32, #tpu.memory_space<vmem>> -> memref<128x2xf32, #tpu.memory_space<vmem>>
        %dma_start3A_288 = arith.constant 0 : i32
        %dma_start3A_289 = tpu.memref_slice %arg10[%add3A_281, %dma_start3A_288] : memref<128x128xi32, #tpu.memory_space<vmem>> -> memref<1x128xi32, #tpu.memory_space<vmem>>
        %dma_start3A_290 = tpu.memref_squeeze %dma_start3A_289 : memref<1x128xi32, #tpu.memory_space<vmem>> -> memref<128xi32, #tpu.memory_space<vmem>>
        %dma_start3A_291 = arith.constant 0 : i32
        %dma_start3A_292 = arith.constant 0 : i32
        %dma_start3A_293 = tpu.memref_slice %arg3[%dma_start3A_291, %dma_start3A_292] : memref<8388608x2xf32, #tpu.memory_space<hbm>> -> memref<8388608x2xf32, #tpu.memory_space<hbm>>
        %dma_start3A_294 = tpu.memref_slice %arg14[%and3A_170] : memref<2x!tpu.dma_semaphore, #tpu.memory_space<semaphore_mem>> -> memref<1x!tpu.dma_semaphore, #tpu.memory_space<semaphore_mem>>
        %dma_start3A_295 = tpu.memref_squeeze %dma_start3A_294 : memref<1x!tpu.dma_semaphore, #tpu.memory_space<semaphore_mem>> -> memref<!tpu.dma_semaphore, #tpu.memory_space<semaphore_mem>>
        tpu.enqueue_indirect_dma source(%dma_start3A_293 : memref<8388608x2xf32, #tpu.memory_space<hbm>>) target(%dma_start3A_287 : memref<128x2xf32, #tpu.memory_space<vmem>>) offsets(%dma_start3A_290 : memref<128xi32, #tpu.memory_space<vmem>>) semaphore(%dma_start3A_295 : memref<!tpu.dma_semaphore, #tpu.memory_space<semaphore_mem>>)
        %mul3A_296 = arith.constant 8 : i32
        %mul3A_297 = arith.muli %add3A_169, %mul3A_296 : i32
        %add3A_298 = arith.constant 7 : i32
        %add3A_299 = arith.addi %mul3A_297, %add3A_298 : i32
        %and3A_300 = arith.constant 1 : i32
        %and3A_301 = arith.andi %add3A_169, %and3A_300 : i32
        %dma_start3A_302 = arith.constant 896 : i32
        %dma_start3A_303 = arith.constant 0 : i32
        %dma_start3A_304 = tpu.memref_slice %arg12[%and3A_301, %dma_start3A_302, %dma_start3A_303] : memref<2x1024x2xf32, #tpu.memory_space<vmem>> -> memref<1x128x2xf32, #tpu.memory_space<vmem>>
        %dma_start3A_305 = tpu.memref_squeeze %dma_start3A_304 : memref<1x128x2xf32, #tpu.memory_space<vmem>> -> memref<128x2xf32, #tpu.memory_space<vmem>>
        %dma_start3A_306 = arith.constant 0 : i32
        %dma_start3A_307 = tpu.memref_slice %arg10[%add3A_299, %dma_start3A_306] : memref<128x128xi32, #tpu.memory_space<vmem>> -> memref<1x128xi32, #tpu.memory_space<vmem>>
        %dma_start3A_308 = tpu.memref_squeeze %dma_start3A_307 : memref<1x128xi32, #tpu.memory_space<vmem>> -> memref<128xi32, #tpu.memory_space<vmem>>
        %dma_start3A_309 = arith.constant 0 : i32
        %dma_start3A_310 = arith.constant 0 : i32
        %dma_start3A_311 = tpu.memref_slice %arg3[%dma_start3A_309, %dma_start3A_310] : memref<8388608x2xf32, #tpu.memory_space<hbm>> -> memref<8388608x2xf32, #tpu.memory_space<hbm>>
        %dma_start3A_312 = tpu.memref_slice %arg14[%and3A_170] : memref<2x!tpu.dma_semaphore, #tpu.memory_space<semaphore_mem>> -> memref<1x!tpu.dma_semaphore, #tpu.memory_space<semaphore_mem>>
        %dma_start3A_313 = tpu.memref_squeeze %dma_start3A_312 : memref<1x!tpu.dma_semaphore, #tpu.memory_space<semaphore_mem>> -> memref<!tpu.dma_semaphore, #tpu.memory_space<semaphore_mem>>
        tpu.enqueue_indirect_dma source(%dma_start3A_311 : memref<8388608x2xf32, #tpu.memory_space<hbm>>) target(%dma_start3A_305 : memref<128x2xf32, #tpu.memory_space<vmem>>) offsets(%dma_start3A_308 : memref<128xi32, #tpu.memory_space<vmem>>) semaphore(%dma_start3A_313 : memref<!tpu.dma_semaphore, #tpu.memory_space<semaphore_mem>>)
        %gt3A = arith.constant 0 : i32
        %gt3A_314 = arith.cmpi sgt, %add3A_169, %gt3A : i32
        %convert_element_type3A = arith.extui %gt3A_314 : i1 to i32
        %cond3A = arith.constant 0 : i32
        %cond3A_315 = arith.cmpi ne, %convert_element_type3A, %cond3A : i32
        scf.if %cond3A_315 {
          %sub3A = arith.constant 1 : i32
          %sub3A_316 = arith.subi %add3A_169, %sub3A : i32
          %and3A_317 = arith.constant 1 : i32
          %and3A_318 = arith.andi %sub3A_316, %and3A_317 : i32
          %mul3A_319 = arith.constant 8 : i32
          %mul3A_320 = arith.muli %sub3A_316, %mul3A_319 : i32
          %add3A_321 = arith.constant 0 : i32
          %add3A_322 = arith.addi %mul3A_320, %add3A_321 : i32
          %and3A_323 = arith.constant 1 : i32
          %and3A_324 = arith.andi %sub3A_316, %and3A_323 : i32
          %dma_wait3A_325 = arith.constant 0 : i32
          %dma_wait3A_326 = arith.constant 0 : i32
          %dma_wait3A_327 = tpu.memref_slice %arg12[%and3A_324, %dma_wait3A_325, %dma_wait3A_326] : memref<2x1024x2xf32, #tpu.memory_space<vmem>> -> memref<1x128x2xf32, #tpu.memory_space<vmem>>
          %dma_wait3A_328 = tpu.memref_squeeze %dma_wait3A_327 : memref<1x128x2xf32, #tpu.memory_space<vmem>> -> memref<128x2xf32, #tpu.memory_space<vmem>>
          %dma_wait3A_329 = arith.constant 0 : i32
          %dma_wait3A_330 = tpu.memref_slice %arg10[%add3A_322, %dma_wait3A_329] : memref<128x128xi32, #tpu.memory_space<vmem>> -> memref<1x128xi32, #tpu.memory_space<vmem>>
          %dma_wait3A_331 = tpu.memref_squeeze %dma_wait3A_330 : memref<1x128xi32, #tpu.memory_space<vmem>> -> memref<128xi32, #tpu.memory_space<vmem>>
          %dma_wait3A_332 = arith.constant 0 : i32
          %dma_wait3A_333 = arith.constant 0 : i32
          %dma_wait3A_334 = tpu.memref_slice %arg3[%dma_wait3A_332, %dma_wait3A_333] : memref<8388608x2xf32, #tpu.memory_space<hbm>> -> memref<8388608x2xf32, #tpu.memory_space<hbm>>
          %dma_wait3A_335 = tpu.memref_slice %arg14[%and3A_318] : memref<2x!tpu.dma_semaphore, #tpu.memory_space<semaphore_mem>> -> memref<1x!tpu.dma_semaphore, #tpu.memory_space<semaphore_mem>>
          %dma_wait3A_336 = tpu.memref_squeeze %dma_wait3A_335 : memref<1x!tpu.dma_semaphore, #tpu.memory_space<semaphore_mem>> -> memref<!tpu.dma_semaphore, #tpu.memory_space<semaphore_mem>>
          tpu.wait_indirect_dma semaphore(%dma_wait3A_336 : memref<!tpu.dma_semaphore, #tpu.memory_space<semaphore_mem>>) src(%dma_wait3A_334 : memref<8388608x2xf32, #tpu.memory_space<hbm>>) dst(%dma_wait3A_328 : memref<128x2xf32, #tpu.memory_space<vmem>>)
          %mul3A_337 = arith.constant 8 : i32
          %mul3A_338 = arith.muli %sub3A_316, %mul3A_337 : i32
          %add3A_339 = arith.constant 1 : i32
          %add3A_340 = arith.addi %mul3A_338, %add3A_339 : i32
          %and3A_341 = arith.constant 1 : i32
          %and3A_342 = arith.andi %sub3A_316, %and3A_341 : i32
          %dma_wait3A_343 = arith.constant 128 : i32
          %dma_wait3A_344 = arith.constant 0 : i32
          %dma_wait3A_345 = tpu.memref_slice %arg12[%and3A_342, %dma_wait3A_343, %dma_wait3A_344] : memref<2x1024x2xf32, #tpu.memory_space<vmem>> -> memref<1x128x2xf32, #tpu.memory_space<vmem>>
          %dma_wait3A_346 = tpu.memref_squeeze %dma_wait3A_345 : memref<1x128x2xf32, #tpu.memory_space<vmem>> -> memref<128x2xf32, #tpu.memory_space<vmem>>
          %dma_wait3A_347 = arith.constant 0 : i32
          %dma_wait3A_348 = tpu.memref_slice %arg10[%add3A_340, %dma_wait3A_347] : memref<128x128xi32, #tpu.memory_space<vmem>> -> memref<1x128xi32, #tpu.memory_space<vmem>>
          %dma_wait3A_349 = tpu.memref_squeeze %dma_wait3A_348 : memref<1x128xi32, #tpu.memory_space<vmem>> -> memref<128xi32, #tpu.memory_space<vmem>>
          %dma_wait3A_350 = arith.constant 0 : i32
          %dma_wait3A_351 = arith.constant 0 : i32
          %dma_wait3A_352 = tpu.memref_slice %arg3[%dma_wait3A_350, %dma_wait3A_351] : memref<8388608x2xf32, #tpu.memory_space<hbm>> -> memref<8388608x2xf32, #tpu.memory_space<hbm>>
          %dma_wait3A_353 = tpu.memref_slice %arg14[%and3A_318] : memref<2x!tpu.dma_semaphore, #tpu.memory_space<semaphore_mem>> -> memref<1x!tpu.dma_semaphore, #tpu.memory_space<semaphore_mem>>
          %dma_wait3A_354 = tpu.memref_squeeze %dma_wait3A_353 : memref<1x!tpu.dma_semaphore, #tpu.memory_space<semaphore_mem>> -> memref<!tpu.dma_semaphore, #tpu.memory_space<semaphore_mem>>
          tpu.wait_indirect_dma semaphore(%dma_wait3A_354 : memref<!tpu.dma_semaphore, #tpu.memory_space<semaphore_mem>>) src(%dma_wait3A_352 : memref<8388608x2xf32, #tpu.memory_space<hbm>>) dst(%dma_wait3A_346 : memref<128x2xf32, #tpu.memory_space<vmem>>)
          %mul3A_355 = arith.constant 8 : i32
          %mul3A_356 = arith.muli %sub3A_316, %mul3A_355 : i32
          %add3A_357 = arith.constant 2 : i32
          %add3A_358 = arith.addi %mul3A_356, %add3A_357 : i32
          %and3A_359 = arith.constant 1 : i32
          %and3A_360 = arith.andi %sub3A_316, %and3A_359 : i32
          %dma_wait3A_361 = arith.constant 256 : i32
          %dma_wait3A_362 = arith.constant 0 : i32
          %dma_wait3A_363 = tpu.memref_slice %arg12[%and3A_360, %dma_wait3A_361, %dma_wait3A_362] : memref<2x1024x2xf32, #tpu.memory_space<vmem>> -> memref<1x128x2xf32, #tpu.memory_space<vmem>>
          %dma_wait3A_364 = tpu.memref_squeeze %dma_wait3A_363 : memref<1x128x2xf32, #tpu.memory_space<vmem>> -> memref<128x2xf32, #tpu.memory_space<vmem>>
          %dma_wait3A_365 = arith.constant 0 : i32
          %dma_wait3A_366 = tpu.memref_slice %arg10[%add3A_358, %dma_wait3A_365] : memref<128x128xi32, #tpu.memory_space<vmem>> -> memref<1x128xi32, #tpu.memory_space<vmem>>
          %dma_wait3A_367 = tpu.memref_squeeze %dma_wait3A_366 : memref<1x128xi32, #tpu.memory_space<vmem>> -> memref<128xi32, #tpu.memory_space<vmem>>
          %dma_wait3A_368 = arith.constant 0 : i32
          %dma_wait3A_369 = arith.constant 0 : i32
          %dma_wait3A_370 = tpu.memref_slice %arg3[%dma_wait3A_368, %dma_wait3A_369] : memref<8388608x2xf32, #tpu.memory_space<hbm>> -> memref<8388608x2xf32, #tpu.memory_space<hbm>>
          %dma_wait3A_371 = tpu.memref_slice %arg14[%and3A_318] : memref<2x!tpu.dma_semaphore, #tpu.memory_space<semaphore_mem>> -> memref<1x!tpu.dma_semaphore, #tpu.memory_space<semaphore_mem>>
          %dma_wait3A_372 = tpu.memref_squeeze %dma_wait3A_371 : memref<1x!tpu.dma_semaphore, #tpu.memory_space<semaphore_mem>> -> memref<!tpu.dma_semaphore, #tpu.memory_space<semaphore_mem>>
          tpu.wait_indirect_dma semaphore(%dma_wait3A_372 : memref<!tpu.dma_semaphore, #tpu.memory_space<semaphore_mem>>) src(%dma_wait3A_370 : memref<8388608x2xf32, #tpu.memory_space<hbm>>) dst(%dma_wait3A_364 : memref<128x2xf32, #tpu.memory_space<vmem>>)
          %mul3A_373 = arith.constant 8 : i32
          %mul3A_374 = arith.muli %sub3A_316, %mul3A_373 : i32
          %add3A_375 = arith.constant 3 : i32
          %add3A_376 = arith.addi %mul3A_374, %add3A_375 : i32
          %and3A_377 = arith.constant 1 : i32
          %and3A_378 = arith.andi %sub3A_316, %and3A_377 : i32
          %dma_wait3A_379 = arith.constant 384 : i32
          %dma_wait3A_380 = arith.constant 0 : i32
          %dma_wait3A_381 = tpu.memref_slice %arg12[%and3A_378, %dma_wait3A_379, %dma_wait3A_380] : memref<2x1024x2xf32, #tpu.memory_space<vmem>> -> memref<1x128x2xf32, #tpu.memory_space<vmem>>
          %dma_wait3A_382 = tpu.memref_squeeze %dma_wait3A_381 : memref<1x128x2xf32, #tpu.memory_space<vmem>> -> memref<128x2xf32, #tpu.memory_space<vmem>>
          %dma_wait3A_383 = arith.constant 0 : i32
          %dma_wait3A_384 = tpu.memref_slice %arg10[%add3A_376, %dma_wait3A_383] : memref<128x128xi32, #tpu.memory_space<vmem>> -> memref<1x128xi32, #tpu.memory_space<vmem>>
          %dma_wait3A_385 = tpu.memref_squeeze %dma_wait3A_384 : memref<1x128xi32, #tpu.memory_space<vmem>> -> memref<128xi32, #tpu.memory_space<vmem>>
          %dma_wait3A_386 = arith.constant 0 : i32
          %dma_wait3A_387 = arith.constant 0 : i32
          %dma_wait3A_388 = tpu.memref_slice %arg3[%dma_wait3A_386, %dma_wait3A_387] : memref<8388608x2xf32, #tpu.memory_space<hbm>> -> memref<8388608x2xf32, #tpu.memory_space<hbm>>
          %dma_wait3A_389 = tpu.memref_slice %arg14[%and3A_318] : memref<2x!tpu.dma_semaphore, #tpu.memory_space<semaphore_mem>> -> memref<1x!tpu.dma_semaphore, #tpu.memory_space<semaphore_mem>>
          %dma_wait3A_390 = tpu.memref_squeeze %dma_wait3A_389 : memref<1x!tpu.dma_semaphore, #tpu.memory_space<semaphore_mem>> -> memref<!tpu.dma_semaphore, #tpu.memory_space<semaphore_mem>>
          tpu.wait_indirect_dma semaphore(%dma_wait3A_390 : memref<!tpu.dma_semaphore, #tpu.memory_space<semaphore_mem>>) src(%dma_wait3A_388 : memref<8388608x2xf32, #tpu.memory_space<hbm>>) dst(%dma_wait3A_382 : memref<128x2xf32, #tpu.memory_space<vmem>>)
          %mul3A_391 = arith.constant 8 : i32
          %mul3A_392 = arith.muli %sub3A_316, %mul3A_391 : i32
          %add3A_393 = arith.constant 4 : i32
          %add3A_394 = arith.addi %mul3A_392, %add3A_393 : i32
          %and3A_395 = arith.constant 1 : i32
          %and3A_396 = arith.andi %sub3A_316, %and3A_395 : i32
          %dma_wait3A_397 = arith.constant 512 : i32
          %dma_wait3A_398 = arith.constant 0 : i32
          %dma_wait3A_399 = tpu.memref_slice %arg12[%and3A_396, %dma_wait3A_397, %dma_wait3A_398] : memref<2x1024x2xf32, #tpu.memory_space<vmem>> -> memref<1x128x2xf32, #tpu.memory_space<vmem>>
          %dma_wait3A_400 = tpu.memref_squeeze %dma_wait3A_399 : memref<1x128x2xf32, #tpu.memory_space<vmem>> -> memref<128x2xf32, #tpu.memory_space<vmem>>
          %dma_wait3A_401 = arith.constant 0 : i32
          %dma_wait3A_402 = tpu.memref_slice %arg10[%add3A_394, %dma_wait3A_401] : memref<128x128xi32, #tpu.memory_space<vmem>> -> memref<1x128xi32, #tpu.memory_space<vmem>>
          %dma_wait3A_403 = tpu.memref_squeeze %dma_wait3A_402 : memref<1x128xi32, #tpu.memory_space<vmem>> -> memref<128xi32, #tpu.memory_space<vmem>>
          %dma_wait3A_404 = arith.constant 0 : i32
          %dma_wait3A_405 = arith.constant 0 : i32
          %dma_wait3A_406 = tpu.memref_slice %arg3[%dma_wait3A_404, %dma_wait3A_405] : memref<8388608x2xf32, #tpu.memory_space<hbm>> -> memref<8388608x2xf32, #tpu.memory_space<hbm>>
          %dma_wait3A_407 = tpu.memref_slice %arg14[%and3A_318] : memref<2x!tpu.dma_semaphore, #tpu.memory_space<semaphore_mem>> -> memref<1x!tpu.dma_semaphore, #tpu.memory_space<semaphore_mem>>
          %dma_wait3A_408 = tpu.memref_squeeze %dma_wait3A_407 : memref<1x!tpu.dma_semaphore, #tpu.memory_space<semaphore_mem>> -> memref<!tpu.dma_semaphore, #tpu.memory_space<semaphore_mem>>
          tpu.wait_indirect_dma semaphore(%dma_wait3A_408 : memref<!tpu.dma_semaphore, #tpu.memory_space<semaphore_mem>>) src(%dma_wait3A_406 : memref<8388608x2xf32, #tpu.memory_space<hbm>>) dst(%dma_wait3A_400 : memref<128x2xf32, #tpu.memory_space<vmem>>)
          %mul3A_409 = arith.constant 8 : i32
          %mul3A_410 = arith.muli %sub3A_316, %mul3A_409 : i32
          %add3A_411 = arith.constant 5 : i32
          %add3A_412 = arith.addi %mul3A_410, %add3A_411 : i32
          %and3A_413 = arith.constant 1 : i32
          %and3A_414 = arith.andi %sub3A_316, %and3A_413 : i32
          %dma_wait3A_415 = arith.constant 640 : i32
          %dma_wait3A_416 = arith.constant 0 : i32
          %dma_wait3A_417 = tpu.memref_slice %arg12[%and3A_414, %dma_wait3A_415, %dma_wait3A_416] : memref<2x1024x2xf32, #tpu.memory_space<vmem>> -> memref<1x128x2xf32, #tpu.memory_space<vmem>>
          %dma_wait3A_418 = tpu.memref_squeeze %dma_wait3A_417 : memref<1x128x2xf32, #tpu.memory_space<vmem>> -> memref<128x2xf32, #tpu.memory_space<vmem>>
          %dma_wait3A_419 = arith.constant 0 : i32
          %dma_wait3A_420 = tpu.memref_slice %arg10[%add3A_412, %dma_wait3A_419] : memref<128x128xi32, #tpu.memory_space<vmem>> -> memref<1x128xi32, #tpu.memory_space<vmem>>
          %dma_wait3A_421 = tpu.memref_squeeze %dma_wait3A_420 : memref<1x128xi32, #tpu.memory_space<vmem>> -> memref<128xi32, #tpu.memory_space<vmem>>
          %dma_wait3A_422 = arith.constant 0 : i32
          %dma_wait3A_423 = arith.constant 0 : i32
          %dma_wait3A_424 = tpu.memref_slice %arg3[%dma_wait3A_422, %dma_wait3A_423] : memref<8388608x2xf32, #tpu.memory_space<hbm>> -> memref<8388608x2xf32, #tpu.memory_space<hbm>>
          %dma_wait3A_425 = tpu.memref_slice %arg14[%and3A_318] : memref<2x!tpu.dma_semaphore, #tpu.memory_space<semaphore_mem>> -> memref<1x!tpu.dma_semaphore, #tpu.memory_space<semaphore_mem>>
          %dma_wait3A_426 = tpu.memref_squeeze %dma_wait3A_425 : memref<1x!tpu.dma_semaphore, #tpu.memory_space<semaphore_mem>> -> memref<!tpu.dma_semaphore, #tpu.memory_space<semaphore_mem>>
          tpu.wait_indirect_dma semaphore(%dma_wait3A_426 : memref<!tpu.dma_semaphore, #tpu.memory_space<semaphore_mem>>) src(%dma_wait3A_424 : memref<8388608x2xf32, #tpu.memory_space<hbm>>) dst(%dma_wait3A_418 : memref<128x2xf32, #tpu.memory_space<vmem>>)
          %mul3A_427 = arith.constant 8 : i32
          %mul3A_428 = arith.muli %sub3A_316, %mul3A_427 : i32
          %add3A_429 = arith.constant 6 : i32
          %add3A_430 = arith.addi %mul3A_428, %add3A_429 : i32
          %and3A_431 = arith.constant 1 : i32
          %and3A_432 = arith.andi %sub3A_316, %and3A_431 : i32
          %dma_wait3A_433 = arith.constant 768 : i32
          %dma_wait3A_434 = arith.constant 0 : i32
          %dma_wait3A_435 = tpu.memref_slice %arg12[%and3A_432, %dma_wait3A_433, %dma_wait3A_434] : memref<2x1024x2xf32, #tpu.memory_space<vmem>> -> memref<1x128x2xf32, #tpu.memory_space<vmem>>
          %dma_wait3A_436 = tpu.memref_squeeze %dma_wait3A_435 : memref<1x128x2xf32, #tpu.memory_space<vmem>> -> memref<128x2xf32, #tpu.memory_space<vmem>>
          %dma_wait3A_437 = arith.constant 0 : i32
          %dma_wait3A_438 = tpu.memref_slice %arg10[%add3A_430, %dma_wait3A_437] : memref<128x128xi32, #tpu.memory_space<vmem>> -> memref<1x128xi32, #tpu.memory_space<vmem>>
          %dma_wait3A_439 = tpu.memref_squeeze %dma_wait3A_438 : memref<1x128xi32, #tpu.memory_space<vmem>> -> memref<128xi32, #tpu.memory_space<vmem>>
          %dma_wait3A_440 = arith.constant 0 : i32
          %dma_wait3A_441 = arith.constant 0 : i32
          %dma_wait3A_442 = tpu.memref_slice %arg3[%dma_wait3A_440, %dma_wait3A_441] : memref<8388608x2xf32, #tpu.memory_space<hbm>> -> memref<8388608x2xf32, #tpu.memory_space<hbm>>
          %dma_wait3A_443 = tpu.memref_slice %arg14[%and3A_318] : memref<2x!tpu.dma_semaphore, #tpu.memory_space<semaphore_mem>> -> memref<1x!tpu.dma_semaphore, #tpu.memory_space<semaphore_mem>>
          %dma_wait3A_444 = tpu.memref_squeeze %dma_wait3A_443 : memref<1x!tpu.dma_semaphore, #tpu.memory_space<semaphore_mem>> -> memref<!tpu.dma_semaphore, #tpu.memory_space<semaphore_mem>>
          tpu.wait_indirect_dma semaphore(%dma_wait3A_444 : memref<!tpu.dma_semaphore, #tpu.memory_space<semaphore_mem>>) src(%dma_wait3A_442 : memref<8388608x2xf32, #tpu.memory_space<hbm>>) dst(%dma_wait3A_436 : memref<128x2xf32, #tpu.memory_space<vmem>>)
          %mul3A_445 = arith.constant 8 : i32
          %mul3A_446 = arith.muli %sub3A_316, %mul3A_445 : i32
          %add3A_447 = arith.constant 7 : i32
          %add3A_448 = arith.addi %mul3A_446, %add3A_447 : i32
          %and3A_449 = arith.constant 1 : i32
          %and3A_450 = arith.andi %sub3A_316, %and3A_449 : i32
          %dma_wait3A_451 = arith.constant 896 : i32
          %dma_wait3A_452 = arith.constant 0 : i32
          %dma_wait3A_453 = tpu.memref_slice %arg12[%and3A_450, %dma_wait3A_451, %dma_wait3A_452] : memref<2x1024x2xf32, #tpu.memory_space<vmem>> -> memref<1x128x2xf32, #tpu.memory_space<vmem>>
          %dma_wait3A_454 = tpu.memref_squeeze %dma_wait3A_453 : memref<1x128x2xf32, #tpu.memory_space<vmem>> -> memref<128x2xf32, #tpu.memory_space<vmem>>
          %dma_wait3A_455 = arith.constant 0 : i32
          %dma_wait3A_456 = tpu.memref_slice %arg10[%add3A_448, %dma_wait3A_455] : memref<128x128xi32, #tpu.memory_space<vmem>> -> memref<1x128xi32, #tpu.memory_space<vmem>>
          %dma_wait3A_457 = tpu.memref_squeeze %dma_wait3A_456 : memref<1x128xi32, #tpu.memory_space<vmem>> -> memref<128xi32, #tpu.memory_space<vmem>>
          %dma_wait3A_458 = arith.constant 0 : i32
          %dma_wait3A_459 = arith.constant 0 : i32
          %dma_wait3A_460 = tpu.memref_slice %arg3[%dma_wait3A_458, %dma_wait3A_459] : memref<8388608x2xf32, #tpu.memory_space<hbm>> -> memref<8388608x2xf32, #tpu.memory_space<hbm>>
          %dma_wait3A_461 = tpu.memref_slice %arg14[%and3A_318] : memref<2x!tpu.dma_semaphore, #tpu.memory_space<semaphore_mem>> -> memref<1x!tpu.dma_semaphore, #tpu.memory_space<semaphore_mem>>
          %dma_wait3A_462 = tpu.memref_squeeze %dma_wait3A_461 : memref<1x!tpu.dma_semaphore, #tpu.memory_space<semaphore_mem>> -> memref<!tpu.dma_semaphore, #tpu.memory_space<semaphore_mem>>
          tpu.wait_indirect_dma semaphore(%dma_wait3A_462 : memref<!tpu.dma_semaphore, #tpu.memory_space<semaphore_mem>>) src(%dma_wait3A_460 : memref<8388608x2xf32, #tpu.memory_space<hbm>>) dst(%dma_wait3A_454 : memref<128x2xf32, #tpu.memory_space<vmem>>)
          %mul3A_463 = arith.constant 2 : i32
          %mul3A_464 = arith.muli %mul3A_463, %sub3A_316 : i32
          %broadcast_in_dim3A_465 = vector.broadcast %mul3A_464 : i32 to vector<16xi32>
          %add3A_466 = arith.constant 1 : i32
          %add3A_467 = vector.broadcast %add3A_466 : i32 to vector<16xi32>
          %add3A_468 = arith.addi %broadcast_in_dim3A_465, %add3A_467 : vector<16xi32>
          %and3A_469 = arith.constant 1 : i32
          %and3A_470 = arith.andi %sub3A_316, %and3A_469 : i32
          %broadcast_in_dim3A_471 = vector.broadcast %and3A_470 : i32 to vector<16xi32>
          %scan3A_472 = arith.constant 0 : i32
          %scan3A_473 = arith.constant 8 : i32
          %scan3A_474 = arith.addi %scan3A_472, %scan3A_473 : i32
          %scan3A_475 = arith.constant 1 : i32
          scf.for %scan3A_477 = %scan3A_472 to %scan3A_474 step %scan3A_475  : i32 {
            %mul3A_478 = arith.constant 1 : i32
            %mul3A_479 = arith.muli %scan3A_477, %mul3A_478 : i32
            %add3A_480 = arith.constant 0 : i32
            %add3A_481 = arith.addi %add3A_480, %mul3A_479 : i32
            %mul3A_482 = arith.constant 16 : i32
            %mul3A_483 = arith.muli %add3A_481, %mul3A_482 : i32
            %broadcast_in_dim3A_484 = arith.constant 0.000000e+00 : f32
            %broadcast_in_dim3A_485 = vector.broadcast %broadcast_in_dim3A_484 : f32 to vector<16xf32>
            %broadcast_in_dim3A_486 = arith.constant 0.000000e+00 : f32
            %broadcast_in_dim3A_487 = vector.broadcast %broadcast_in_dim3A_486 : f32 to vector<16xf32>
            %add3A_488 = arith.constant 0 : i32
            %add3A_489 = arith.addi %add3A_488, %mul3A_483 : i32
            %broadcast_in_dim3A_490 = vector.broadcast %add3A_489 : i32 to vector<16xi32>
            %add3A_491 = arith.addi %broadcast_in_dim3A_490, %iota3A : vector<16xi32>
            %gather3A = tpu.vector_load_idx %arg12[%broadcast_in_dim3A_471, %add3A_491, %broadcast_in_dim3A_1] : memref<2x1024x2xf32, #tpu.memory_space<vmem>>[vector<16xi32>, vector<16xi32>, vector<16xi32>], vector<16xf32>,
            %gather3A_492 = tpu.vector_load_idx %arg12[%broadcast_in_dim3A_471, %add3A_491, %broadcast_in_dim3A_3] : memref<2x1024x2xf32, #tpu.memory_space<vmem>>[vector<16xi32>, vector<16xi32>, vector<16xi32>], vector<16xf32>,
            %mul3A_493 = arith.constant 8 : i32
            %mul3A_494 = arith.muli %sub3A_316, %mul3A_493 : i32
            %add3A_495 = arith.constant 0 : i32
            %add3A_496 = arith.addi %mul3A_494, %add3A_495 : i32
            %get3A = arith.index_cast %add3A_496 : i32 to index
            %get3A_497 = arith.index_cast %mul3A_483 : i32 to index
            %get3A_498 = tpu.vector_load %arg11[%get3A, %get3A_497] {strides = array<i32>} : memref<128x128xf32, #tpu.memory_space<vmem>>, vector<16xf32>,
            %mul3A_499 = arith.mulf %get3A_498, %gather3A : vector<16xf32>
            %add3A_500 = arith.addf %broadcast_in_dim3A_485, %mul3A_499 : vector<16xf32>
            %mul3A_501 = arith.mulf %get3A_498, %gather3A_492 : vector<16xf32>
            %add3A_502 = arith.addf %broadcast_in_dim3A_487, %mul3A_501 : vector<16xf32>
            %add3A_503 = arith.constant 128 : i32
            %add3A_504 = arith.addi %add3A_503, %mul3A_483 : i32
            %broadcast_in_dim3A_505 = vector.broadcast %add3A_504 : i32 to vector<16xi32>
            %add3A_506 = arith.addi %broadcast_in_dim3A_505, %iota3A : vector<16xi32>
            %gather3A_507 = tpu.vector_load_idx %arg12[%broadcast_in_dim3A_471, %add3A_506, %broadcast_in_dim3A_1] : memref<2x1024x2xf32, #tpu.memory_space<vmem>>[vector<16xi32>, vector<16xi32>, vector<16xi32>], vector<16xf32>,
            %gather3A_508 = tpu.vector_load_idx %arg12[%broadcast_in_dim3A_471, %add3A_506, %broadcast_in_dim3A_3] : memref<2x1024x2xf32, #tpu.memory_space<vmem>>[vector<16xi32>, vector<16xi32>, vector<16xi32>], vector<16xf32>,
            %mul3A_509 = arith.constant 8 : i32
            %mul3A_510 = arith.muli %sub3A_316, %mul3A_509 : i32
            %add3A_511 = arith.constant 1 : i32
            %add3A_512 = arith.addi %mul3A_510, %add3A_511 : i32
            %get3A_513 = arith.index_cast %add3A_512 : i32 to index
            %get3A_514 = arith.index_cast %mul3A_483 : i32 to index
            %get3A_515 = tpu.vector_load %arg11[%get3A_513, %get3A_514] {strides = array<i32>} : memref<128x128xf32, #tpu.memory_space<vmem>>, vector<16xf32>,
            %mul3A_516 = arith.mulf %get3A_515, %gather3A_507 : vector<16xf32>
            %add3A_517 = arith.addf %add3A_500, %mul3A_516 : vector<16xf32>
            %mul3A_518 = arith.mulf %get3A_515, %gather3A_508 : vector<16xf32>
            %add3A_519 = arith.addf %add3A_502, %mul3A_518 : vector<16xf32>
            %add3A_520 = arith.constant 256 : i32
            %add3A_521 = arith.addi %add3A_520, %mul3A_483 : i32
            %broadcast_in_dim3A_522 = vector.broadcast %add3A_521 : i32 to vector<16xi32>
            %add3A_523 = arith.addi %broadcast_in_dim3A_522, %iota3A : vector<16xi32>
            %gather3A_524 = tpu.vector_load_idx %arg12[%broadcast_in_dim3A_471, %add3A_523, %broadcast_in_dim3A_1] : memref<2x1024x2xf32, #tpu.memory_space<vmem>>[vector<16xi32>, vector<16xi32>, vector<16xi32>], vector<16xf32>,
            %gather3A_525 = tpu.vector_load_idx %arg12[%broadcast_in_dim3A_471, %add3A_523, %broadcast_in_dim3A_3] : memref<2x1024x2xf32, #tpu.memory_space<vmem>>[vector<16xi32>, vector<16xi32>, vector<16xi32>], vector<16xf32>,
            %mul3A_526 = arith.constant 8 : i32
            %mul3A_527 = arith.muli %sub3A_316, %mul3A_526 : i32
            %add3A_528 = arith.constant 2 : i32
            %add3A_529 = arith.addi %mul3A_527, %add3A_528 : i32
            %get3A_530 = arith.index_cast %add3A_529 : i32 to index
            %get3A_531 = arith.index_cast %mul3A_483 : i32 to index
            %get3A_532 = tpu.vector_load %arg11[%get3A_530, %get3A_531] {strides = array<i32>} : memref<128x128xf32, #tpu.memory_space<vmem>>, vector<16xf32>,
            %mul3A_533 = arith.mulf %get3A_532, %gather3A_524 : vector<16xf32>
            %add3A_534 = arith.addf %add3A_517, %mul3A_533 : vector<16xf32>
            %mul3A_535 = arith.mulf %get3A_532, %gather3A_525 : vector<16xf32>
            %add3A_536 = arith.addf %add3A_519, %mul3A_535 : vector<16xf32>
            %add3A_537 = arith.constant 384 : i32
            %add3A_538 = arith.addi %add3A_537, %mul3A_483 : i32
            %broadcast_in_dim3A_539 = vector.broadcast %add3A_538 : i32 to vector<16xi32>
            %add3A_540 = arith.addi %broadcast_in_dim3A_539, %iota3A : vector<16xi32>
            %gather3A_541 = tpu.vector_load_idx %arg12[%broadcast_in_dim3A_471, %add3A_540, %broadcast_in_dim3A_1] : memref<2x1024x2xf32, #tpu.memory_space<vmem>>[vector<16xi32>, vector<16xi32>, vector<16xi32>], vector<16xf32>,
            %gather3A_542 = tpu.vector_load_idx %arg12[%broadcast_in_dim3A_471, %add3A_540, %broadcast_in_dim3A_3] : memref<2x1024x2xf32, #tpu.memory_space<vmem>>[vector<16xi32>, vector<16xi32>, vector<16xi32>], vector<16xf32>,
            %mul3A_543 = arith.constant 8 : i32
            %mul3A_544 = arith.muli %sub3A_316, %mul3A_543 : i32
            %add3A_545 = arith.constant 3 : i32
            %add3A_546 = arith.addi %mul3A_544, %add3A_545 : i32
            %get3A_547 = arith.index_cast %add3A_546 : i32 to index
            %get3A_548 = arith.index_cast %mul3A_483 : i32 to index
            %get3A_549 = tpu.vector_load %arg11[%get3A_547, %get3A_548] {strides = array<i32>} : memref<128x128xf32, #tpu.memory_space<vmem>>, vector<16xf32>,
            %mul3A_550 = arith.mulf %get3A_549, %gather3A_541 : vector<16xf32>
            %add3A_551 = arith.addf %add3A_534, %mul3A_550 : vector<16xf32>
            %mul3A_552 = arith.mulf %get3A_549, %gather3A_542 : vector<16xf32>
            %add3A_553 = arith.addf %add3A_536, %mul3A_552 : vector<16xf32>
            %add3A_554 = arith.constant 512 : i32
            %add3A_555 = arith.addi %add3A_554, %mul3A_483 : i32
            %broadcast_in_dim3A_556 = vector.broadcast %add3A_555 : i32 to vector<16xi32>
            %add3A_557 = arith.addi %broadcast_in_dim3A_556, %iota3A : vector<16xi32>
            %gather3A_558 = tpu.vector_load_idx %arg12[%broadcast_in_dim3A_471, %add3A_557, %broadcast_in_dim3A_1] : memref<2x1024x2xf32, #tpu.memory_space<vmem>>[vector<16xi32>, vector<16xi32>, vector<16xi32>], vector<16xf32>,
            %gather3A_559 = tpu.vector_load_idx %arg12[%broadcast_in_dim3A_471, %add3A_557, %broadcast_in_dim3A_3] : memref<2x1024x2xf32, #tpu.memory_space<vmem>>[vector<16xi32>, vector<16xi32>, vector<16xi32>], vector<16xf32>,
            %mul3A_560 = arith.constant 8 : i32
            %mul3A_561 = arith.muli %sub3A_316, %mul3A_560 : i32
            %add3A_562 = arith.constant 4 : i32
            %add3A_563 = arith.addi %mul3A_561, %add3A_562 : i32
            %get3A_564 = arith.index_cast %add3A_563 : i32 to index
            %get3A_565 = arith.index_cast %mul3A_483 : i32 to index
            %get3A_566 = tpu.vector_load %arg11[%get3A_564, %get3A_565] {strides = array<i32>} : memref<128x128xf32, #tpu.memory_space<vmem>>, vector<16xf32>,
            %mul3A_567 = arith.mulf %get3A_566, %gather3A_558 : vector<16xf32>
            %add3A_568 = arith.addf %add3A_551, %mul3A_567 : vector<16xf32>
            %mul3A_569 = arith.mulf %get3A_566, %gather3A_559 : vector<16xf32>
            %add3A_570 = arith.addf %add3A_553, %mul3A_569 : vector<16xf32>
            %add3A_571 = arith.constant 640 : i32
            %add3A_572 = arith.addi %add3A_571, %mul3A_483 : i32
            %broadcast_in_dim3A_573 = vector.broadcast %add3A_572 : i32 to vector<16xi32>
            %add3A_574 = arith.addi %broadcast_in_dim3A_573, %iota3A : vector<16xi32>
            %gather3A_575 = tpu.vector_load_idx %arg12[%broadcast_in_dim3A_471, %add3A_574, %broadcast_in_dim3A_1] : memref<2x1024x2xf32, #tpu.memory_space<vmem>>[vector<16xi32>, vector<16xi32>, vector<16xi32>], vector<16xf32>,
            %gather3A_576 = tpu.vector_load_idx %arg12[%broadcast_in_dim3A_471, %add3A_574, %broadcast_in_dim3A_3] : memref<2x1024x2xf32, #tpu.memory_space<vmem>>[vector<16xi32>, vector<16xi32>, vector<16xi32>], vector<16xf32>,
            %mul3A_577 = arith.constant 8 : i32
            %mul3A_578 = arith.muli %sub3A_316, %mul3A_577 : i32
            %add3A_579 = arith.constant 5 : i32
            %add3A_580 = arith.addi %mul3A_578, %add3A_579 : i32
            %get3A_581 = arith.index_cast %add3A_580 : i32 to index
            %get3A_582 = arith.index_cast %mul3A_483 : i32 to index
            %get3A_583 = tpu.vector_load %arg11[%get3A_581, %get3A_582] {strides = array<i32>} : memref<128x128xf32, #tpu.memory_space<vmem>>, vector<16xf32>,
            %mul3A_584 = arith.mulf %get3A_583, %gather3A_575 : vector<16xf32>
            %add3A_585 = arith.addf %add3A_568, %mul3A_584 : vector<16xf32>
            %mul3A_586 = arith.mulf %get3A_583, %gather3A_576 : vector<16xf32>
            %add3A_587 = arith.addf %add3A_570, %mul3A_586 : vector<16xf32>
            %add3A_588 = arith.constant 768 : i32
            %add3A_589 = arith.addi %add3A_588, %mul3A_483 : i32
            %broadcast_in_dim3A_590 = vector.broadcast %add3A_589 : i32 to vector<16xi32>
            %add3A_591 = arith.addi %broadcast_in_dim3A_590, %iota3A : vector<16xi32>
            %gather3A_592 = tpu.vector_load_idx %arg12[%broadcast_in_dim3A_471, %add3A_591, %broadcast_in_dim3A_1] : memref<2x1024x2xf32, #tpu.memory_space<vmem>>[vector<16xi32>, vector<16xi32>, vector<16xi32>], vector<16xf32>,
            %gather3A_593 = tpu.vector_load_idx %arg12[%broadcast_in_dim3A_471, %add3A_591, %broadcast_in_dim3A_3] : memref<2x1024x2xf32, #tpu.memory_space<vmem>>[vector<16xi32>, vector<16xi32>, vector<16xi32>], vector<16xf32>,
            %mul3A_594 = arith.constant 8 : i32
            %mul3A_595 = arith.muli %sub3A_316, %mul3A_594 : i32
            %add3A_596 = arith.constant 6 : i32
            %add3A_597 = arith.addi %mul3A_595, %add3A_596 : i32
            %get3A_598 = arith.index_cast %add3A_597 : i32 to index
            %get3A_599 = arith.index_cast %mul3A_483 : i32 to index
            %get3A_600 = tpu.vector_load %arg11[%get3A_598, %get3A_599] {strides = array<i32>} : memref<128x128xf32, #tpu.memory_space<vmem>>, vector<16xf32>,
            %mul3A_601 = arith.mulf %get3A_600, %gather3A_592 : vector<16xf32>
            %add3A_602 = arith.addf %add3A_585, %mul3A_601 : vector<16xf32>
            %mul3A_603 = arith.mulf %get3A_600, %gather3A_593 : vector<16xf32>
            %add3A_604 = arith.addf %add3A_587, %mul3A_603 : vector<16xf32>
            %add3A_605 = arith.constant 896 : i32
            %add3A_606 = arith.addi %add3A_605, %mul3A_483 : i32
            %broadcast_in_dim3A_607 = vector.broadcast %add3A_606 : i32 to vector<16xi32>
            %add3A_608 = arith.addi %broadcast_in_dim3A_607, %iota3A : vector<16xi32>
            %gather3A_609 = tpu.vector_load_idx %arg12[%broadcast_in_dim3A_471, %add3A_608, %broadcast_in_dim3A_1] : memref<2x1024x2xf32, #tpu.memory_space<vmem>>[vector<16xi32>, vector<16xi32>, vector<16xi32>], vector<16xf32>,
            %gather3A_610 = tpu.vector_load_idx %arg12[%broadcast_in_dim3A_471, %add3A_608, %broadcast_in_dim3A_3] : memref<2x1024x2xf32, #tpu.memory_space<vmem>>[vector<16xi32>, vector<16xi32>, vector<16xi32>], vector<16xf32>,
            %mul3A_611 = arith.constant 8 : i32
            %mul3A_612 = arith.muli %sub3A_316, %mul3A_611 : i32
            %add3A_613 = arith.constant 7 : i32
            %add3A_614 = arith.addi %mul3A_612, %add3A_613 : i32
            %get3A_615 = arith.index_cast %add3A_614 : i32 to index
            %get3A_616 = arith.index_cast %mul3A_483 : i32 to index
            %get3A_617 = tpu.vector_load %arg11[%get3A_615, %get3A_616] {strides = array<i32>} : memref<128x128xf32, #tpu.memory_space<vmem>>, vector<16xf32>,
            %mul3A_618 = arith.mulf %get3A_617, %gather3A_609 : vector<16xf32>
            %add3A_619 = arith.addf %add3A_602, %mul3A_618 : vector<16xf32>
            %mul3A_620 = arith.mulf %get3A_617, %gather3A_610 : vector<16xf32>
            %add3A_621 = arith.addf %add3A_604, %mul3A_620 : vector<16xf32>
            %broadcast_in_dim3A_622 = vector.broadcast %mul3A_483 : i32 to vector<16xi32>
            %add3A_623 = arith.addi %broadcast_in_dim3A_622, %iota3A : vector<16xi32>
            tpu.vector_store_idx %arg13[%add3A_623, %broadcast_in_dim3A_465], %add3A_619 : memref<128x32xf32, #tpu.memory_space<vmem>>[vector<16xi32>, vector<16xi32>], vector<16xf32>,
            tpu.vector_store_idx %arg13[%add3A_623, %add3A_468], %add3A_621 : memref<128x32xf32, #tpu.memory_space<vmem>>[vector<16xi32>, vector<16xi32>], vector<16xf32>,
          }
          %scan3A_476 = arith.constant 8 : i32
        } else {
        }
      }
      %scan3A_33 = arith.constant 16 : i32
      %dma_wait3A = arith.constant 120 : i32
      %dma_wait3A_34 = arith.constant 1 : i32
      %dma_wait3A_35 = arith.constant 1 : i32
      %dma_wait3A_36 = arith.constant 0 : i32
      %dma_wait3A_37 = arith.constant 0 : i32
      %dma_wait3A_38 = tpu.memref_slice %arg12[%dma_wait3A_34, %dma_wait3A_36, %dma_wait3A_37] : memref<2x1024x2xf32, #tpu.memory_space<vmem>> -> memref<1x128x2xf32, #tpu.memory_space<vmem>>
      %dma_wait3A_39 = tpu.memref_squeeze %dma_wait3A_38 : memref<1x128x2xf32, #tpu.memory_space<vmem>> -> memref<128x2xf32, #tpu.memory_space<vmem>>
      %dma_wait3A_40 = arith.constant 0 : i32
      %dma_wait3A_41 = tpu.memref_slice %arg10[%dma_wait3A, %dma_wait3A_40] : memref<128x128xi32, #tpu.memory_space<vmem>> -> memref<1x128xi32, #tpu.memory_space<vmem>>
      %dma_wait3A_42 = tpu.memref_squeeze %dma_wait3A_41 : memref<1x128xi32, #tpu.memory_space<vmem>> -> memref<128xi32, #tpu.memory_space<vmem>>
      %dma_wait3A_43 = arith.constant 0 : i32
      %dma_wait3A_44 = arith.constant 0 : i32
      %dma_wait3A_45 = tpu.memref_slice %arg3[%dma_wait3A_43, %dma_wait3A_44] : memref<8388608x2xf32, #tpu.memory_space<hbm>> -> memref<8388608x2xf32, #tpu.memory_space<hbm>>
      %dma_wait3A_46 = tpu.memref_slice %arg14[%dma_wait3A_35] : memref<2x!tpu.dma_semaphore, #tpu.memory_space<semaphore_mem>> -> memref<1x!tpu.dma_semaphore, #tpu.memory_space<semaphore_mem>>
      %dma_wait3A_47 = tpu.memref_squeeze %dma_wait3A_46 : memref<1x!tpu.dma_semaphore, #tpu.memory_space<semaphore_mem>> -> memref<!tpu.dma_semaphore, #tpu.memory_space<semaphore_mem>>
      tpu.wait_indirect_dma semaphore(%dma_wait3A_47 : memref<!tpu.dma_semaphore, #tpu.memory_space<semaphore_mem>>) src(%dma_wait3A_45 : memref<8388608x2xf32, #tpu.memory_space<hbm>>) dst(%dma_wait3A_39 : memref<128x2xf32, #tpu.memory_space<vmem>>)
      %dma_wait3A_48 = arith.constant 121 : i32
      %dma_wait3A_49 = arith.constant 1 : i32
      %dma_wait3A_50 = arith.constant 1 : i32
      %dma_wait3A_51 = arith.constant 128 : i32
      %dma_wait3A_52 = arith.constant 0 : i32
      %dma_wait3A_53 = tpu.memref_slice %arg12[%dma_wait3A_49, %dma_wait3A_51, %dma_wait3A_52] : memref<2x1024x2xf32, #tpu.memory_space<vmem>> -> memref<1x128x2xf32, #tpu.memory_space<vmem>>
      %dma_wait3A_54 = tpu.memref_squeeze %dma_wait3A_53 : memref<1x128x2xf32, #tpu.memory_space<vmem>> -> memref<128x2xf32, #tpu.memory_space<vmem>>
      %dma_wait3A_55 = arith.constant 0 : i32
      %dma_wait3A_56 = tpu.memref_slice %arg10[%dma_wait3A_48, %dma_wait3A_55] : memref<128x128xi32, #tpu.memory_space<vmem>> -> memref<1x128xi32, #tpu.memory_space<vmem>>
      %dma_wait3A_57 = tpu.memref_squeeze %dma_wait3A_56 : memref<1x128xi32, #tpu.memory_space<vmem>> -> memref<128xi32, #tpu.memory_space<vmem>>
      %dma_wait3A_58 = arith.constant 0 : i32
      %dma_wait3A_59 = arith.constant 0 : i32
      %dma_wait3A_60 = tpu.memref_slice %arg3[%dma_wait3A_58, %dma_wait3A_59] : memref<8388608x2xf32, #tpu.memory_space<hbm>> -> memref<8388608x2xf32, #tpu.memory_space<hbm>>
      %dma_wait3A_61 = tpu.memref_slice %arg14[%dma_wait3A_50] : memref<2x!tpu.dma_semaphore, #tpu.memory_space<semaphore_mem>> -> memref<1x!tpu.dma_semaphore, #tpu.memory_space<semaphore_mem>>
      %dma_wait3A_62 = tpu.memref_squeeze %dma_wait3A_61 : memref<1x!tpu.dma_semaphore, #tpu.memory_space<semaphore_mem>> -> memref<!tpu.dma_semaphore, #tpu.memory_space<semaphore_mem>>
      tpu.wait_indirect_dma semaphore(%dma_wait3A_62 : memref<!tpu.dma_semaphore, #tpu.memory_space<semaphore_mem>>) src(%dma_wait3A_60 : memref<8388608x2xf32, #tpu.memory_space<hbm>>) dst(%dma_wait3A_54 : memref<128x2xf32, #tpu.memory_space<vmem>>)
      %dma_wait3A_63 = arith.constant 122 : i32
      %dma_wait3A_64 = arith.constant 1 : i32
      %dma_wait3A_65 = arith.constant 1 : i32
      %dma_wait3A_66 = arith.constant 256 : i32
      %dma_wait3A_67 = arith.constant 0 : i32
      %dma_wait3A_68 = tpu.memref_slice %arg12[%dma_wait3A_64, %dma_wait3A_66, %dma_wait3A_67] : memref<2x1024x2xf32, #tpu.memory_space<vmem>> -> memref<1x128x2xf32, #tpu.memory_space<vmem>>
      %dma_wait3A_69 = tpu.memref_squeeze %dma_wait3A_68 : memref<1x128x2xf32, #tpu.memory_space<vmem>> -> memref<128x2xf32, #tpu.memory_space<vmem>>
      %dma_wait3A_70 = arith.constant 0 : i32
      %dma_wait3A_71 = tpu.memref_slice %arg10[%dma_wait3A_63, %dma_wait3A_70] : memref<128x128xi32, #tpu.memory_space<vmem>> -> memref<1x128xi32, #tpu.memory_space<vmem>>
      %dma_wait3A_72 = tpu.memref_squeeze %dma_wait3A_71 : memref<1x128xi32, #tpu.memory_space<vmem>> -> memref<128xi32, #tpu.memory_space<vmem>>
      %dma_wait3A_73 = arith.constant 0 : i32
      %dma_wait3A_74 = arith.constant 0 : i32
      %dma_wait3A_75 = tpu.memref_slice %arg3[%dma_wait3A_73, %dma_wait3A_74] : memref<8388608x2xf32, #tpu.memory_space<hbm>> -> memref<8388608x2xf32, #tpu.memory_space<hbm>>
      %dma_wait3A_76 = tpu.memref_slice %arg14[%dma_wait3A_65] : memref<2x!tpu.dma_semaphore, #tpu.memory_space<semaphore_mem>> -> memref<1x!tpu.dma_semaphore, #tpu.memory_space<semaphore_mem>>
      %dma_wait3A_77 = tpu.memref_squeeze %dma_wait3A_76 : memref<1x!tpu.dma_semaphore, #tpu.memory_space<semaphore_mem>> -> memref<!tpu.dma_semaphore, #tpu.memory_space<semaphore_mem>>
      tpu.wait_indirect_dma semaphore(%dma_wait3A_77 : memref<!tpu.dma_semaphore, #tpu.memory_space<semaphore_mem>>) src(%dma_wait3A_75 : memref<8388608x2xf32, #tpu.memory_space<hbm>>) dst(%dma_wait3A_69 : memref<128x2xf32, #tpu.memory_space<vmem>>)
      %dma_wait3A_78 = arith.constant 123 : i32
      %dma_wait3A_79 = arith.constant 1 : i32
      %dma_wait3A_80 = arith.constant 1 : i32
      %dma_wait3A_81 = arith.constant 384 : i32
      %dma_wait3A_82 = arith.constant 0 : i32
      %dma_wait3A_83 = tpu.memref_slice %arg12[%dma_wait3A_79, %dma_wait3A_81, %dma_wait3A_82] : memref<2x1024x2xf32, #tpu.memory_space<vmem>> -> memref<1x128x2xf32, #tpu.memory_space<vmem>>
      %dma_wait3A_84 = tpu.memref_squeeze %dma_wait3A_83 : memref<1x128x2xf32, #tpu.memory_space<vmem>> -> memref<128x2xf32, #tpu.memory_space<vmem>>
      %dma_wait3A_85 = arith.constant 0 : i32
      %dma_wait3A_86 = tpu.memref_slice %arg10[%dma_wait3A_78, %dma_wait3A_85] : memref<128x128xi32, #tpu.memory_space<vmem>> -> memref<1x128xi32, #tpu.memory_space<vmem>>
      %dma_wait3A_87 = tpu.memref_squeeze %dma_wait3A_86 : memref<1x128xi32, #tpu.memory_space<vmem>> -> memref<128xi32, #tpu.memory_space<vmem>>
      %dma_wait3A_88 = arith.constant 0 : i32
      %dma_wait3A_89 = arith.constant 0 : i32
      %dma_wait3A_90 = tpu.memref_slice %arg3[%dma_wait3A_88, %dma_wait3A_89] : memref<8388608x2xf32, #tpu.memory_space<hbm>> -> memref<8388608x2xf32, #tpu.memory_space<hbm>>
      %dma_wait3A_91 = tpu.memref_slice %arg14[%dma_wait3A_80] : memref<2x!tpu.dma_semaphore, #tpu.memory_space<semaphore_mem>> -> memref<1x!tpu.dma_semaphore, #tpu.memory_space<semaphore_mem>>
      %dma_wait3A_92 = tpu.memref_squeeze %dma_wait3A_91 : memref<1x!tpu.dma_semaphore, #tpu.memory_space<semaphore_mem>> -> memref<!tpu.dma_semaphore, #tpu.memory_space<semaphore_mem>>
      tpu.wait_indirect_dma semaphore(%dma_wait3A_92 : memref<!tpu.dma_semaphore, #tpu.memory_space<semaphore_mem>>) src(%dma_wait3A_90 : memref<8388608x2xf32, #tpu.memory_space<hbm>>) dst(%dma_wait3A_84 : memref<128x2xf32, #tpu.memory_space<vmem>>)
      %dma_wait3A_93 = arith.constant 124 : i32
      %dma_wait3A_94 = arith.constant 1 : i32
      %dma_wait3A_95 = arith.constant 1 : i32
      %dma_wait3A_96 = arith.constant 512 : i32
      %dma_wait3A_97 = arith.constant 0 : i32
      %dma_wait3A_98 = tpu.memref_slice %arg12[%dma_wait3A_94, %dma_wait3A_96, %dma_wait3A_97] : memref<2x1024x2xf32, #tpu.memory_space<vmem>> -> memref<1x128x2xf32, #tpu.memory_space<vmem>>
      %dma_wait3A_99 = tpu.memref_squeeze %dma_wait3A_98 : memref<1x128x2xf32, #tpu.memory_space<vmem>> -> memref<128x2xf32, #tpu.memory_space<vmem>>
      %dma_wait3A_100 = arith.constant 0 : i32
      %dma_wait3A_101 = tpu.memref_slice %arg10[%dma_wait3A_93, %dma_wait3A_100] : memref<128x128xi32, #tpu.memory_space<vmem>> -> memref<1x128xi32, #tpu.memory_space<vmem>>
      %dma_wait3A_102 = tpu.memref_squeeze %dma_wait3A_101 : memref<1x128xi32, #tpu.memory_space<vmem>> -> memref<128xi32, #tpu.memory_space<vmem>>
      %dma_wait3A_103 = arith.constant 0 : i32
      %dma_wait3A_104 = arith.constant 0 : i32
      %dma_wait3A_105 = tpu.memref_slice %arg3[%dma_wait3A_103, %dma_wait3A_104] : memref<8388608x2xf32, #tpu.memory_space<hbm>> -> memref<8388608x2xf32, #tpu.memory_space<hbm>>
      %dma_wait3A_106 = tpu.memref_slice %arg14[%dma_wait3A_95] : memref<2x!tpu.dma_semaphore, #tpu.memory_space<semaphore_mem>> -> memref<1x!tpu.dma_semaphore, #tpu.memory_space<semaphore_mem>>
      %dma_wait3A_107 = tpu.memref_squeeze %dma_wait3A_106 : memref<1x!tpu.dma_semaphore, #tpu.memory_space<semaphore_mem>> -> memref<!tpu.dma_semaphore, #tpu.memory_space<semaphore_mem>>
      tpu.wait_indirect_dma semaphore(%dma_wait3A_107 : memref<!tpu.dma_semaphore, #tpu.memory_space<semaphore_mem>>) src(%dma_wait3A_105 : memref<8388608x2xf32, #tpu.memory_space<hbm>>) dst(%dma_wait3A_99 : memref<128x2xf32, #tpu.memory_space<vmem>>)
      %dma_wait3A_108 = arith.constant 125 : i32
      %dma_wait3A_109 = arith.constant 1 : i32
      %dma_wait3A_110 = arith.constant 1 : i32
      %dma_wait3A_111 = arith.constant 640 : i32
      %dma_wait3A_112 = arith.constant 0 : i32
      %dma_wait3A_113 = tpu.memref_slice %arg12[%dma_wait3A_109, %dma_wait3A_111, %dma_wait3A_112] : memref<2x1024x2xf32, #tpu.memory_space<vmem>> -> memref<1x128x2xf32, #tpu.memory_space<vmem>>
      %dma_wait3A_114 = tpu.memref_squeeze %dma_wait3A_113 : memref<1x128x2xf32, #tpu.memory_space<vmem>> -> memref<128x2xf32, #tpu.memory_space<vmem>>
      %dma_wait3A_115 = arith.constant 0 : i32
      %dma_wait3A_116 = tpu.memref_slice %arg10[%dma_wait3A_108, %dma_wait3A_115] : memref<128x128xi32, #tpu.memory_space<vmem>> -> memref<1x128xi32, #tpu.memory_space<vmem>>
      %dma_wait3A_117 = tpu.memref_squeeze %dma_wait3A_116 : memref<1x128xi32, #tpu.memory_space<vmem>> -> memref<128xi32, #tpu.memory_space<vmem>>
      %dma_wait3A_118 = arith.constant 0 : i32
      %dma_wait3A_119 = arith.constant 0 : i32
      %dma_wait3A_120 = tpu.memref_slice %arg3[%dma_wait3A_118, %dma_wait3A_119] : memref<8388608x2xf32, #tpu.memory_space<hbm>> -> memref<8388608x2xf32, #tpu.memory_space<hbm>>
      %dma_wait3A_121 = tpu.memref_slice %arg14[%dma_wait3A_110] : memref<2x!tpu.dma_semaphore, #tpu.memory_space<semaphore_mem>> -> memref<1x!tpu.dma_semaphore, #tpu.memory_space<semaphore_mem>>
      %dma_wait3A_122 = tpu.memref_squeeze %dma_wait3A_121 : memref<1x!tpu.dma_semaphore, #tpu.memory_space<semaphore_mem>> -> memref<!tpu.dma_semaphore, #tpu.memory_space<semaphore_mem>>
      tpu.wait_indirect_dma semaphore(%dma_wait3A_122 : memref<!tpu.dma_semaphore, #tpu.memory_space<semaphore_mem>>) src(%dma_wait3A_120 : memref<8388608x2xf32, #tpu.memory_space<hbm>>) dst(%dma_wait3A_114 : memref<128x2xf32, #tpu.memory_space<vmem>>)
      %dma_wait3A_123 = arith.constant 126 : i32
      %dma_wait3A_124 = arith.constant 1 : i32
      %dma_wait3A_125 = arith.constant 1 : i32
      %dma_wait3A_126 = arith.constant 768 : i32
      %dma_wait3A_127 = arith.constant 0 : i32
      %dma_wait3A_128 = tpu.memref_slice %arg12[%dma_wait3A_124, %dma_wait3A_126, %dma_wait3A_127] : memref<2x1024x2xf32, #tpu.memory_space<vmem>> -> memref<1x128x2xf32, #tpu.memory_space<vmem>>
      %dma_wait3A_129 = tpu.memref_squeeze %dma_wait3A_128 : memref<1x128x2xf32, #tpu.memory_space<vmem>> -> memref<128x2xf32, #tpu.memory_space<vmem>>
      %dma_wait3A_130 = arith.constant 0 : i32
      %dma_wait3A_131 = tpu.memref_slice %arg10[%dma_wait3A_123, %dma_wait3A_130] : memref<128x128xi32, #tpu.memory_space<vmem>> -> memref<1x128xi32, #tpu.memory_space<vmem>>
      %dma_wait3A_132 = tpu.memref_squeeze %dma_wait3A_131 : memref<1x128xi32, #tpu.memory_space<vmem>> -> memref<128xi32, #tpu.memory_space<vmem>>
      %dma_wait3A_133 = arith.constant 0 : i32
      %dma_wait3A_134 = arith.constant 0 : i32
      %dma_wait3A_135 = tpu.memref_slice %arg3[%dma_wait3A_133, %dma_wait3A_134] : memref<8388608x2xf32, #tpu.memory_space<hbm>> -> memref<8388608x2xf32, #tpu.memory_space<hbm>>
      %dma_wait3A_136 = tpu.memref_slice %arg14[%dma_wait3A_125] : memref<2x!tpu.dma_semaphore, #tpu.memory_space<semaphore_mem>> -> memref<1x!tpu.dma_semaphore, #tpu.memory_space<semaphore_mem>>
      %dma_wait3A_137 = tpu.memref_squeeze %dma_wait3A_136 : memref<1x!tpu.dma_semaphore, #tpu.memory_space<semaphore_mem>> -> memref<!tpu.dma_semaphore, #tpu.memory_space<semaphore_mem>>
      tpu.wait_indirect_dma semaphore(%dma_wait3A_137 : memref<!tpu.dma_semaphore, #tpu.memory_space<semaphore_mem>>) src(%dma_wait3A_135 : memref<8388608x2xf32, #tpu.memory_space<hbm>>) dst(%dma_wait3A_129 : memref<128x2xf32, #tpu.memory_space<vmem>>)
      %dma_wait3A_138 = arith.constant 127 : i32
      %dma_wait3A_139 = arith.constant 1 : i32
      %dma_wait3A_140 = arith.constant 1 : i32
      %dma_wait3A_141 = arith.constant 896 : i32
      %dma_wait3A_142 = arith.constant 0 : i32
      %dma_wait3A_143 = tpu.memref_slice %arg12[%dma_wait3A_139, %dma_wait3A_141, %dma_wait3A_142] : memref<2x1024x2xf32, #tpu.memory_space<vmem>> -> memref<1x128x2xf32, #tpu.memory_space<vmem>>
      %dma_wait3A_144 = tpu.memref_squeeze %dma_wait3A_143 : memref<1x128x2xf32, #tpu.memory_space<vmem>> -> memref<128x2xf32, #tpu.memory_space<vmem>>
      %dma_wait3A_145 = arith.constant 0 : i32
      %dma_wait3A_146 = tpu.memref_slice %arg10[%dma_wait3A_138, %dma_wait3A_145] : memref<128x128xi32, #tpu.memory_space<vmem>> -> memref<1x128xi32, #tpu.memory_space<vmem>>
      %dma_wait3A_147 = tpu.memref_squeeze %dma_wait3A_146 : memref<1x128xi32, #tpu.memory_space<vmem>> -> memref<128xi32, #tpu.memory_space<vmem>>
      %dma_wait3A_148 = arith.constant 0 : i32
      %dma_wait3A_149 = arith.constant 0 : i32
      %dma_wait3A_150 = tpu.memref_slice %arg3[%dma_wait3A_148, %dma_wait3A_149] : memref<8388608x2xf32, #tpu.memory_space<hbm>> -> memref<8388608x2xf32, #tpu.memory_space<hbm>>
      %dma_wait3A_151 = tpu.memref_slice %arg14[%dma_wait3A_140] : memref<2x!tpu.dma_semaphore, #tpu.memory_space<semaphore_mem>> -> memref<1x!tpu.dma_semaphore, #tpu.memory_space<semaphore_mem>>
      %dma_wait3A_152 = tpu.memref_squeeze %dma_wait3A_151 : memref<1x!tpu.dma_semaphore, #tpu.memory_space<semaphore_mem>> -> memref<!tpu.dma_semaphore, #tpu.memory_space<semaphore_mem>>
      tpu.wait_indirect_dma semaphore(%dma_wait3A_152 : memref<!tpu.dma_semaphore, #tpu.memory_space<semaphore_mem>>) src(%dma_wait3A_150 : memref<8388608x2xf32, #tpu.memory_space<hbm>>) dst(%dma_wait3A_144 : memref<128x2xf32, #tpu.memory_space<vmem>>)
      %broadcast_in_dim3A_153 = arith.constant 30 : i32
      %broadcast_in_dim3A_154 = vector.broadcast %broadcast_in_dim3A_153 : i32 to vector<16xi32>
      %add3A_155 = arith.constant 1 : i32
      %add3A_156 = vector.broadcast %add3A_155 : i32 to vector<16xi32>
      %add3A_157 = arith.addi %broadcast_in_dim3A_154, %add3A_156 : vector<16xi32>
      %broadcast_in_dim3A_158 = arith.constant 1 : i32
      %broadcast_in_dim3A_159 = vector.broadcast %broadcast_in_dim3A_158 : i32 to vector<16xi32>
      %scan3A_160 = arith.constant 0 : i32
      %scan3A_161 = arith.constant 8 : i32
      %scan3A_162 = arith.addi %scan3A_160, %scan3A_161 : i32
      %scan3A_163 = arith.constant 1 : i32
      scf.for %scan3A_165 = %scan3A_160 to %scan3A_162 step %scan3A_163  : i32 {
        %mul3A_166 = arith.constant 1 : i32
        %mul3A_167 = arith.muli %scan3A_165, %mul3A_166 : i32
        %add3A_168 = arith.constant 0 : i32
        %add3A_169 = arith.addi %add3A_168, %mul3A_167 : i32
        %mul3A_170 = arith.constant 16 : i32
        %mul3A_171 = arith.muli %add3A_169, %mul3A_170 : i32
        %broadcast_in_dim3A_172 = arith.constant 0.000000e+00 : f32
        %broadcast_in_dim3A_173 = vector.broadcast %broadcast_in_dim3A_172 : f32 to vector<16xf32>
        %broadcast_in_dim3A_174 = arith.constant 0.000000e+00 : f32
        %broadcast_in_dim3A_175 = vector.broadcast %broadcast_in_dim3A_174 : f32 to vector<16xf32>
        %add3A_176 = arith.constant 0 : i32
        %add3A_177 = arith.addi %add3A_176, %mul3A_171 : i32
        %broadcast_in_dim3A_178 = vector.broadcast %add3A_177 : i32 to vector<16xi32>
        %add3A_179 = arith.addi %broadcast_in_dim3A_178, %iota3A : vector<16xi32>
        %gather3A = tpu.vector_load_idx %arg12[%broadcast_in_dim3A_159, %add3A_179, %broadcast_in_dim3A_1] : memref<2x1024x2xf32, #tpu.memory_space<vmem>>[vector<16xi32>, vector<16xi32>, vector<16xi32>], vector<16xf32>,
        %gather3A_180 = tpu.vector_load_idx %arg12[%broadcast_in_dim3A_159, %add3A_179, %broadcast_in_dim3A_3] : memref<2x1024x2xf32, #tpu.memory_space<vmem>>[vector<16xi32>, vector<16xi32>, vector<16xi32>], vector<16xf32>,
        %get3A = arith.constant 120 : i32
        %get3A_181 = arith.index_cast %get3A : i32 to index
        %get3A_182 = arith.index_cast %mul3A_171 : i32 to index
        %get3A_183 = tpu.vector_load %arg11[%get3A_181, %get3A_182] {strides = array<i32>} : memref<128x128xf32, #tpu.memory_space<vmem>>, vector<16xf32>,
        %mul3A_184 = arith.mulf %get3A_183, %gather3A : vector<16xf32>
        %add3A_185 = arith.addf %broadcast_in_dim3A_173, %mul3A_184 : vector<16xf32>
        %mul3A_186 = arith.mulf %get3A_183, %gather3A_180 : vector<16xf32>
        %add3A_187 = arith.addf %broadcast_in_dim3A_175, %mul3A_186 : vector<16xf32>
        %add3A_188 = arith.constant 128 : i32
        %add3A_189 = arith.addi %add3A_188, %mul3A_171 : i32
        %broadcast_in_dim3A_190 = vector.broadcast %add3A_189 : i32 to vector<16xi32>
        %add3A_191 = arith.addi %broadcast_in_dim3A_190, %iota3A : vector<16xi32>
        %gather3A_192 = tpu.vector_load_idx %arg12[%broadcast_in_dim3A_159, %add3A_191, %broadcast_in_dim3A_1] : memref<2x1024x2xf32, #tpu.memory_space<vmem>>[vector<16xi32>, vector<16xi32>, vector<16xi32>], vector<16xf32>,
        %gather3A_193 = tpu.vector_load_idx %arg12[%broadcast_in_dim3A_159, %add3A_191, %broadcast_in_dim3A_3] : memref<2x1024x2xf32, #tpu.memory_space<vmem>>[vector<16xi32>, vector<16xi32>, vector<16xi32>], vector<16xf32>,
        %get3A_194 = arith.constant 121 : i32
        %get3A_195 = arith.index_cast %get3A_194 : i32 to index
        %get3A_196 = arith.index_cast %mul3A_171 : i32 to index
        %get3A_197 = tpu.vector_load %arg11[%get3A_195, %get3A_196] {strides = array<i32>} : memref<128x128xf32, #tpu.memory_space<vmem>>, vector<16xf32>,
        %mul3A_198 = arith.mulf %get3A_197, %gather3A_192 : vector<16xf32>
        %add3A_199 = arith.addf %add3A_185, %mul3A_198 : vector<16xf32>
        %mul3A_200 = arith.mulf %get3A_197, %gather3A_193 : vector<16xf32>
        %add3A_201 = arith.addf %add3A_187, %mul3A_200 : vector<16xf32>
        %add3A_202 = arith.constant 256 : i32
        %add3A_203 = arith.addi %add3A_202, %mul3A_171 : i32
        %broadcast_in_dim3A_204 = vector.broadcast %add3A_203 : i32 to vector<16xi32>
        %add3A_205 = arith.addi %broadcast_in_dim3A_204, %iota3A : vector<16xi32>
        %gather3A_206 = tpu.vector_load_idx %arg12[%broadcast_in_dim3A_159, %add3A_205, %broadcast_in_dim3A_1] : memref<2x1024x2xf32, #tpu.memory_space<vmem>>[vector<16xi32>, vector<16xi32>, vector<16xi32>], vector<16xf32>,
        %gather3A_207 = tpu.vector_load_idx %arg12[%broadcast_in_dim3A_159, %add3A_205, %broadcast_in_dim3A_3] : memref<2x1024x2xf32, #tpu.memory_space<vmem>>[vector<16xi32>, vector<16xi32>, vector<16xi32>], vector<16xf32>,
        %get3A_208 = arith.constant 122 : i32
        %get3A_209 = arith.index_cast %get3A_208 : i32 to index
        %get3A_210 = arith.index_cast %mul3A_171 : i32 to index
        %get3A_211 = tpu.vector_load %arg11[%get3A_209, %get3A_210] {strides = array<i32>} : memref<128x128xf32, #tpu.memory_space<vmem>>, vector<16xf32>,
        %mul3A_212 = arith.mulf %get3A_211, %gather3A_206 : vector<16xf32>
        %add3A_213 = arith.addf %add3A_199, %mul3A_212 : vector<16xf32>
        %mul3A_214 = arith.mulf %get3A_211, %gather3A_207 : vector<16xf32>
        %add3A_215 = arith.addf %add3A_201, %mul3A_214 : vector<16xf32>
        %add3A_216 = arith.constant 384 : i32
        %add3A_217 = arith.addi %add3A_216, %mul3A_171 : i32
        %broadcast_in_dim3A_218 = vector.broadcast %add3A_217 : i32 to vector<16xi32>
        %add3A_219 = arith.addi %broadcast_in_dim3A_218, %iota3A : vector<16xi32>
        %gather3A_220 = tpu.vector_load_idx %arg12[%broadcast_in_dim3A_159, %add3A_219, %broadcast_in_dim3A_1] : memref<2x1024x2xf32, #tpu.memory_space<vmem>>[vector<16xi32>, vector<16xi32>, vector<16xi32>], vector<16xf32>,
        %gather3A_221 = tpu.vector_load_idx %arg12[%broadcast_in_dim3A_159, %add3A_219, %broadcast_in_dim3A_3] : memref<2x1024x2xf32, #tpu.memory_space<vmem>>[vector<16xi32>, vector<16xi32>, vector<16xi32>], vector<16xf32>,
        %get3A_222 = arith.constant 123 : i32
        %get3A_223 = arith.index_cast %get3A_222 : i32 to index
        %get3A_224 = arith.index_cast %mul3A_171 : i32 to index
        %get3A_225 = tpu.vector_load %arg11[%get3A_223, %get3A_224] {strides = array<i32>} : memref<128x128xf32, #tpu.memory_space<vmem>>, vector<16xf32>,
        %mul3A_226 = arith.mulf %get3A_225, %gather3A_220 : vector<16xf32>
        %add3A_227 = arith.addf %add3A_213, %mul3A_226 : vector<16xf32>
        %mul3A_228 = arith.mulf %get3A_225, %gather3A_221 : vector<16xf32>
        %add3A_229 = arith.addf %add3A_215, %mul3A_228 : vector<16xf32>
        %add3A_230 = arith.constant 512 : i32
        %add3A_231 = arith.addi %add3A_230, %mul3A_171 : i32
        %broadcast_in_dim3A_232 = vector.broadcast %add3A_231 : i32 to vector<16xi32>
        %add3A_233 = arith.addi %broadcast_in_dim3A_232, %iota3A : vector<16xi32>
        %gather3A_234 = tpu.vector_load_idx %arg12[%broadcast_in_dim3A_159, %add3A_233, %broadcast_in_dim3A_1] : memref<2x1024x2xf32, #tpu.memory_space<vmem>>[vector<16xi32>, vector<16xi32>, vector<16xi32>], vector<16xf32>,
        %gather3A_235 = tpu.vector_load_idx %arg12[%broadcast_in_dim3A_159, %add3A_233, %broadcast_in_dim3A_3] : memref<2x1024x2xf32, #tpu.memory_space<vmem>>[vector<16xi32>, vector<16xi32>, vector<16xi32>], vector<16xf32>,
        %get3A_236 = arith.constant 124 : i32
        %get3A_237 = arith.index_cast %get3A_236 : i32 to index
        %get3A_238 = arith.index_cast %mul3A_171 : i32 to index
        %get3A_239 = tpu.vector_load %arg11[%get3A_237, %get3A_238] {strides = array<i32>} : memref<128x128xf32, #tpu.memory_space<vmem>>, vector<16xf32>,
        %mul3A_240 = arith.mulf %get3A_239, %gather3A_234 : vector<16xf32>
        %add3A_241 = arith.addf %add3A_227, %mul3A_240 : vector<16xf32>
        %mul3A_242 = arith.mulf %get3A_239, %gather3A_235 : vector<16xf32>
        %add3A_243 = arith.addf %add3A_229, %mul3A_242 : vector<16xf32>
        %add3A_244 = arith.constant 640 : i32
        %add3A_245 = arith.addi %add3A_244, %mul3A_171 : i32
        %broadcast_in_dim3A_246 = vector.broadcast %add3A_245 : i32 to vector<16xi32>
        %add3A_247 = arith.addi %broadcast_in_dim3A_246, %iota3A : vector<16xi32>
        %gather3A_248 = tpu.vector_load_idx %arg12[%broadcast_in_dim3A_159, %add3A_247, %broadcast_in_dim3A_1] : memref<2x1024x2xf32, #tpu.memory_space<vmem>>[vector<16xi32>, vector<16xi32>, vector<16xi32>], vector<16xf32>,
        %gather3A_249 = tpu.vector_load_idx %arg12[%broadcast_in_dim3A_159, %add3A_247, %broadcast_in_dim3A_3] : memref<2x1024x2xf32, #tpu.memory_space<vmem>>[vector<16xi32>, vector<16xi32>, vector<16xi32>], vector<16xf32>,
        %get3A_250 = arith.constant 125 : i32
        %get3A_251 = arith.index_cast %get3A_250 : i32 to index
        %get3A_252 = arith.index_cast %mul3A_171 : i32 to index
        %get3A_253 = tpu.vector_load %arg11[%get3A_251, %get3A_252] {strides = array<i32>} : memref<128x128xf32, #tpu.memory_space<vmem>>, vector<16xf32>,
        %mul3A_254 = arith.mulf %get3A_253, %gather3A_248 : vector<16xf32>
        %add3A_255 = arith.addf %add3A_241, %mul3A_254 : vector<16xf32>
        %mul3A_256 = arith.mulf %get3A_253, %gather3A_249 : vector<16xf32>
        %add3A_257 = arith.addf %add3A_243, %mul3A_256 : vector<16xf32>
        %add3A_258 = arith.constant 768 : i32
        %add3A_259 = arith.addi %add3A_258, %mul3A_171 : i32
        %broadcast_in_dim3A_260 = vector.broadcast %add3A_259 : i32 to vector<16xi32>
        %add3A_261 = arith.addi %broadcast_in_dim3A_260, %iota3A : vector<16xi32>
        %gather3A_262 = tpu.vector_load_idx %arg12[%broadcast_in_dim3A_159, %add3A_261, %broadcast_in_dim3A_1] : memref<2x1024x2xf32, #tpu.memory_space<vmem>>[vector<16xi32>, vector<16xi32>, vector<16xi32>], vector<16xf32>,
        %gather3A_263 = tpu.vector_load_idx %arg12[%broadcast_in_dim3A_159, %add3A_261, %broadcast_in_dim3A_3] : memref<2x1024x2xf32, #tpu.memory_space<vmem>>[vector<16xi32>, vector<16xi32>, vector<16xi32>], vector<16xf32>,
        %get3A_264 = arith.constant 126 : i32
        %get3A_265 = arith.index_cast %get3A_264 : i32 to index
        %get3A_266 = arith.index_cast %mul3A_171 : i32 to index
        %get3A_267 = tpu.vector_load %arg11[%get3A_265, %get3A_266] {strides = array<i32>} : memref<128x128xf32, #tpu.memory_space<vmem>>, vector<16xf32>,
        %mul3A_268 = arith.mulf %get3A_267, %gather3A_262 : vector<16xf32>
        %add3A_269 = arith.addf %add3A_255, %mul3A_268 : vector<16xf32>
        %mul3A_270 = arith.mulf %get3A_267, %gather3A_263 : vector<16xf32>
        %add3A_271 = arith.addf %add3A_257, %mul3A_270 : vector<16xf32>
        %add3A_272 = arith.constant 896 : i32
        %add3A_273 = arith.addi %add3A_272, %mul3A_171 : i32
        %broadcast_in_dim3A_274 = vector.broadcast %add3A_273 : i32 to vector<16xi32>
        %add3A_275 = arith.addi %broadcast_in_dim3A_274, %iota3A : vector<16xi32>
        %gather3A_276 = tpu.vector_load_idx %arg12[%broadcast_in_dim3A_159, %add3A_275, %broadcast_in_dim3A_1] : memref<2x1024x2xf32, #tpu.memory_space<vmem>>[vector<16xi32>, vector<16xi32>, vector<16xi32>], vector<16xf32>,
        %gather3A_277 = tpu.vector_load_idx %arg12[%broadcast_in_dim3A_159, %add3A_275, %broadcast_in_dim3A_3] : memref<2x1024x2xf32, #tpu.memory_space<vmem>>[vector<16xi32>, vector<16xi32>, vector<16xi32>], vector<16xf32>,
        %get3A_278 = arith.constant 127 : i32
        %get3A_279 = arith.index_cast %get3A_278 : i32 to index
        %get3A_280 = arith.index_cast %mul3A_171 : i32 to index
        %get3A_281 = tpu.vector_load %arg11[%get3A_279, %get3A_280] {strides = array<i32>} : memref<128x128xf32, #tpu.memory_space<vmem>>, vector<16xf32>,
        %mul3A_282 = arith.mulf %get3A_281, %gather3A_276 : vector<16xf32>
        %add3A_283 = arith.addf %add3A_269, %mul3A_282 : vector<16xf32>
        %mul3A_284 = arith.mulf %get3A_281, %gather3A_277 : vector<16xf32>
        %add3A_285 = arith.addf %add3A_271, %mul3A_284 : vector<16xf32>
        %broadcast_in_dim3A_286 = vector.broadcast %mul3A_171 : i32 to vector<16xi32>
        %add3A_287 = arith.addi %broadcast_in_dim3A_286, %iota3A : vector<16xi32>
        tpu.vector_store_idx %arg13[%add3A_287, %broadcast_in_dim3A_154], %add3A_283 : memref<128x32xf32, #tpu.memory_space<vmem>>[vector<16xi32>, vector<16xi32>], vector<16xf32>,
        tpu.vector_store_idx %arg13[%add3A_287, %add3A_157], %add3A_285 : memref<128x32xf32, #tpu.memory_space<vmem>>[vector<16xi32>, vector<16xi32>], vector<16xf32>,
      }
      %scan3A_164 = arith.constant 8 : i32
      "tpu.region"() ({
        %run_scoped3A = tpu.sem_alloc : memref<!tpu.dma_semaphore, #tpu.memory_space<semaphore_mem>>
        %dma_start3A = arith.constant 0 : i32
        %dma_start3A_165 = tpu.memref_slice %arg6[%add3A_23, %dma_start3A] : memref<1048576x32xf32, #tpu.memory_space<hbm>> -> memref<128x32xf32, #tpu.memory_space<hbm>>
        %dma_start3A_166 = arith.constant 0 : i32
        %dma_start3A_167 = tpu.memref_slice %arg6[%add3A_23, %dma_start3A_166] : memref<1048576x32xf32, #tpu.memory_space<hbm>> -> memref<128x32xf32, #tpu.memory_space<hbm>>
        tpu.enqueue_dma source(%arg13 : memref<128x32xf32, #tpu.memory_space<vmem>>) target(%dma_start3A_167 : memref<128x32xf32, #tpu.memory_space<hbm>>) target_semaphore(%run_scoped3A : memref<!tpu.dma_semaphore, #tpu.memory_space<semaphore_mem>>)
        %dma_wait3A_168 = arith.constant 0 : i32
        %dma_wait3A_169 = tpu.memref_slice %arg6[%add3A_23, %dma_wait3A_168] : memref<1048576x32xf32, #tpu.memory_space<hbm>> -> memref<128x32xf32, #tpu.memory_space<hbm>>
        %dma_wait3A_170 = arith.constant 0 : i32
        %dma_wait3A_171 = tpu.memref_slice %arg6[%add3A_23, %dma_wait3A_170] : memref<1048576x32xf32, #tpu.memory_space<hbm>> -> memref<128x32xf32, #tpu.memory_space<hbm>>
        tpu.wait_dma2 semaphore(%run_scoped3A : memref<!tpu.dma_semaphore, #tpu.memory_space<semaphore_mem>>) src(%arg13 : memref<128x32xf32, #tpu.memory_space<vmem>>) dst(%dma_wait3A_171 : memref<128x32xf32, #tpu.memory_space<hbm>>)
        tpu.yield
      }) : () -> ()
    }
    %scan3A_13 = arith.constant 256 : i32
    return
  }
}

module attributes {stable_mosaic.version = 14 : i64} {
  func.func @_tc_body(%arg0: i32, %arg1: memref<512x3xf32, #tpu.memory_space<vmem>>, %arg2: memref<512x32xf32, #tpu.memory_space<vmem>>, %arg3: memref<512x71xf32, #tpu.memory_space<vmem>>) attributes {dimension_semantics = [#tpu.dimension_semantics<arbitrary>], iteration_bounds = array<i64: 2048>, scalar_prefetch = 0 : i64, scratch_operands = 0 : i64, tpu.core_type = #tpu.core_type<tc>, window_params = [{transform_indices = @transform_0, window_bounds = array<i64: 512, 3>}, {transform_indices = @transform_1, window_bounds = array<i64: 512, 32>}, {transform_indices = @transform_2, window_bounds = array<i64: 512, 71>}]} {
    %get3A = arith.constant 0 : index
    %get3A_0 = arith.constant 0 : index
    %get3A_1 = vector.load %arg1[%get3A, %get3A_0] : memref<512x3xf32, #tpu.memory_space<vmem>>, vector<512x3xf32>
    %mul3A = arith.constant 1.000000e+00 : f32
    %mul3A_2 = vector.broadcast %mul3A : f32 to vector<512x3xf32>
    %mul3A_3 = arith.mulf %get3A_1, %mul3A_2 : vector<512x3xf32>
    %sin3A = math.sin %mul3A_3 : vector<512x3xf32>
    %mul3A_4 = arith.constant 1.000000e+00 : f32
    %mul3A_5 = vector.broadcast %mul3A_4 : f32 to vector<512x3xf32>
    %mul3A_6 = arith.mulf %get3A_1, %mul3A_5 : vector<512x3xf32>
    %cos3A = math.cos %mul3A_6 : vector<512x3xf32>
    %mul3A_7 = arith.constant 2.000000e+00 : f32
    %mul3A_8 = vector.broadcast %mul3A_7 : f32 to vector<512x3xf32>
    %mul3A_9 = arith.mulf %get3A_1, %mul3A_8 : vector<512x3xf32>
    %sin3A_10 = math.sin %mul3A_9 : vector<512x3xf32>
    %mul3A_11 = arith.constant 2.000000e+00 : f32
    %mul3A_12 = vector.broadcast %mul3A_11 : f32 to vector<512x3xf32>
    %mul3A_13 = arith.mulf %get3A_1, %mul3A_12 : vector<512x3xf32>
    %cos3A_14 = math.cos %mul3A_13 : vector<512x3xf32>
    %mul3A_15 = arith.constant 4.000000e+00 : f32
    %mul3A_16 = vector.broadcast %mul3A_15 : f32 to vector<512x3xf32>
    %mul3A_17 = arith.mulf %get3A_1, %mul3A_16 : vector<512x3xf32>
    %sin3A_18 = math.sin %mul3A_17 : vector<512x3xf32>
    %mul3A_19 = arith.constant 4.000000e+00 : f32
    %mul3A_20 = vector.broadcast %mul3A_19 : f32 to vector<512x3xf32>
    %mul3A_21 = arith.mulf %get3A_1, %mul3A_20 : vector<512x3xf32>
    %cos3A_22 = math.cos %mul3A_21 : vector<512x3xf32>
    %mul3A_23 = arith.constant 8.000000e+00 : f32
    %mul3A_24 = vector.broadcast %mul3A_23 : f32 to vector<512x3xf32>
    %mul3A_25 = arith.mulf %get3A_1, %mul3A_24 : vector<512x3xf32>
    %sin3A_26 = math.sin %mul3A_25 : vector<512x3xf32>
    %mul3A_27 = arith.constant 8.000000e+00 : f32
    %mul3A_28 = vector.broadcast %mul3A_27 : f32 to vector<512x3xf32>
    %mul3A_29 = arith.mulf %get3A_1, %mul3A_28 : vector<512x3xf32>
    %cos3A_30 = math.cos %mul3A_29 : vector<512x3xf32>
    %mul3A_31 = arith.constant 1.600000e+01 : f32
    %mul3A_32 = vector.broadcast %mul3A_31 : f32 to vector<512x3xf32>
    %mul3A_33 = arith.mulf %get3A_1, %mul3A_32 : vector<512x3xf32>
    %sin3A_34 = math.sin %mul3A_33 : vector<512x3xf32>
    %mul3A_35 = arith.constant 1.600000e+01 : f32
    %mul3A_36 = vector.broadcast %mul3A_35 : f32 to vector<512x3xf32>
    %mul3A_37 = arith.mulf %get3A_1, %mul3A_36 : vector<512x3xf32>
    %cos3A_38 = math.cos %mul3A_37 : vector<512x3xf32>
    %mul3A_39 = arith.constant 3.200000e+01 : f32
    %mul3A_40 = vector.broadcast %mul3A_39 : f32 to vector<512x3xf32>
    %mul3A_41 = arith.mulf %get3A_1, %mul3A_40 : vector<512x3xf32>
    %sin3A_42 = math.sin %mul3A_41 : vector<512x3xf32>
    %mul3A_43 = arith.constant 3.200000e+01 : f32
    %mul3A_44 = vector.broadcast %mul3A_43 : f32 to vector<512x3xf32>
    %mul3A_45 = arith.mulf %get3A_1, %mul3A_44 : vector<512x3xf32>
    %cos3A_46 = math.cos %mul3A_45 : vector<512x3xf32>
    %get3A_47 = arith.constant 0 : index
    %get3A_48 = arith.constant 0 : index
    %get3A_49 = vector.load %arg2[%get3A_47, %get3A_48] : memref<512x32xf32, #tpu.memory_space<vmem>>, vector<512x32xf32>
    %concatenate3A = tpu.concatenate %get3A_1, %sin3A, %cos3A, %sin3A_10, %cos3A_14, %sin3A_18, %cos3A_22, %sin3A_26, %cos3A_30, %sin3A_34, %cos3A_38, %sin3A_42, %cos3A_46, %get3A_49 in 1 : vector<512x3xf32>, vector<512x3xf32>, vector<512x3xf32>, vector<512x3xf32>, vector<512x3xf32>, vector<512x3xf32>, vector<512x3xf32>, vector<512x3xf32>, vector<512x3xf32>, vector<512x3xf32>, vector<512x3xf32>, vector<512x3xf32>, vector<512x3xf32>, vector<512x32xf32> -> vector<512x71xf32>
    %swap3A = arith.constant 0 : index
    %swap3A_50 = arith.constant 0 : index
    %swap3A_51 = vector.load %arg3[%swap3A, %swap3A_50] : memref<512x71xf32, #tpu.memory_space<vmem>>, vector<512x71xf32>
    tpu.vector_store %arg3[%swap3A, %swap3A_50], %concatenate3A {strides = array<i32>} : memref<512x71xf32, #tpu.memory_space<vmem>>, vector<512x71xf32>,
    return
  }
  func.func @transform_0(%arg0: i32) -> (i32, i32) {
    %c0_i32 = arith.constant 0 : i32
    %c0_i32_0 = arith.constant 0 : i32
    return %arg0, %c0_i32 : i32, i32
  }
  func.func @transform_1(%arg0: i32) -> (i32, i32) {
    %c0_i32 = arith.constant 0 : i32
    %c0_i32_0 = arith.constant 0 : i32
    return %arg0, %c0_i32 : i32, i32
  }
  func.func @transform_2(%arg0: i32) -> (i32, i32) {
    %c0_i32 = arith.constant 0 : i32
    %c0_i32_0 = arith.constant 0 : i32
    return %arg0, %c0_i32 : i32, i32
  }
}

</mosaic_0001>

<sc_bundles>
// kernel: kernel.4.cloned.1.call-start
scs
__scs_entry_jumppad:
0x0: {  	(pc) =	sbr.rel $0x88, $3  }
0x1: {  	(tag) =	ssettag $0x0;
	lr =	simm.s32 $0x1  }
0x2: {  	[smem:$0x3F9F] =	sst lr;
	_ =	strace $0xD0000000  }
0x3: {  	_ = 	snop  }
0x4: {  	_ = 	snop  }
0x5: {  	_ = 	snop  }
0x6: {  	_ = 	snop  }
0x7: {  	_ = 	snop  }
__scs_overlays_trampoline_lowered:
0x8: {  	[smem:$0x3FAE] =	sst s0  }
0x9: {  	[smem:$0x3FAF] =	sst s1  }
0xa: {  	[smem:$0x3FB0] =	sst s2  }
0xb: {  	[smem:$0x3FB1] =	sst s3  }
0xc: {  	[smem:$0x3FB2] =	sst s4  }
0xd: {  	[smem:$0x3FB3] =	sst s5  }
0xe: {  	[smem:$0x3FB4] =	sst s6  }
0xf: {  	[smem:$0x3FB5] =	sst s7  }
0x10: {  	[smem:$0x3FB6] =	sst s8  }
0x11: {  	[smem:$0x3FB7] =	sst s9;
	s0 =	simm.s32 @!p0 $0x0  }
0x12: {  	s1 =	sld [smem:$0x3F9D];
	s0 =	simm.s32 @p0 $0x1  }
0x13: {  	[smem:$0x3FB8] =	sst s0;
	s0 =	simm.s32 @!p1 $0x0  }
0x14: {  	s2 =	sld [smem:$0x3F9C];
	s0 =	simm.s32 @p1 $0x1  }
0x15: {  	[smem:$0x3FB9] =	sst s0;
	s0 =	simm.s32 @!p2 $0x0  }
0x16: {  	s3 =	sld [smem:$0x3FDB];
	s0 =	simm.s32 @p2 $0x1  }
0x17: {  	s4 =	simm.s32 $0x1BF5;
	[smem:$0x3FBB] =	sst s0  }
0x18: {  	s0 =	sld [smem:$0x3F9E];
	_ =	swait.ge [sflag:s4], $0x0  }
0x19: {  	s7 =	sld [smem:$0x3F9F]  }
0x1a: {  	s8 =	sadd.s32 $0xFFFFE003, lr  }
0x1b: {  	s9 =	sadd.s32 $0xFFFFFEF7, lr;
	s5 =	simm.s32 $0xFFFFFFFF;
	p2 =	slt.u32 s8, $0xFFFFF086  }
0x1c: {  	p1 =	slt.u32 s9, $0xF7A;
	s5 =	simm.s32 @!p2 $0x0  }
0x1d: {  	s5 =	simm.s32 @p1 $0x1;
	p0 =	seq.s32 s7, s2  }
0x1e: {  	s7 =	smul.u32 @!p0 $0xF7A, s2;
	p2 =	seq.s32 @!p0 s5, $0x0  }
0x1f: {  	s9 =	smul.u32 $0xF7A, s1;
	s8 =	simm.s32 @!p0 $0x1BF5;
	p2 =	por !p2, p0  }
0x20: {  	[sflag:s8] =	ssyncset.s32 @!p0 $0xFFFFF086;
	s6 =	sadd.s32 @!p0 s3, s7;
	s7 =	simm.s32 @!p0 $0x108  }
0x21: {  	s3 =	sadd.s32 s3, s9;
	s6 =	sadd.s32 @!p0 $0x88, s6;
	s7 =	simm.s32 @p2 $0x1082  }
0x22: {  	[simem:s7], [sflag:s8] =	dma.local @!p0 [hbm:s6], $0xF7A  }
0x23: {  	s9 =	sor.u32 $0xD0000000, s2;
	s6 =	simm.s32 $0x108;
	_ =	swait.ge @!p0 [sflag:s8], $0x0  }
0x24: {  	s3 =	sadd.s32 $0x88, s3;
	s6 =	simm.s32 @!p1 $0x1082;
	[sflag:s4] =	ssyncset.s32 $0xFFFFF086  }
0x25: {  	[simem:s6], [sflag:s4] =	dma.local [hbm:s3], $0xF7A  }
0x26: {  	[smem:$0x3F9F] =	sst s1;
	(tag) =	ssettag s2;
	_ =	strace s9  }
0x27: {  	s1 =	sld [smem:$0x3FAF]  }
0x28: {  	s2 =	sld [smem:$0x3FB0]  }
0x29: {  	s4 =	sld [smem:$0x3FB2]  }
0x2a: {  	p0 =	seq.s32 s5, $0x0;
	s5 =	sld [smem:$0x3FB3]  }
0x2b: {  	s6 =	sld [smem:$0x3FB4]  }
0x2c: {  	s7 =	sld [smem:$0x3FB5]  }
0x2d: {  	s3 =	simm.s32 $0x108;
	s8 =	sld [smem:$0x3FB6]  }
0x2e: {  	s3 =	simm.s32 @!p0 $0x1082;
	s9 =	sld [smem:$0x3FB7]  }
0x2f: {  	lr =	sadd.s32 s0, s3;
	s0 =	sld [smem:$0x3FAE]  }
0x30: {  	s3 =	sld [smem:$0x3FB1]  }
0x31: {  	[smem:$0x3FBA] =	sst s10  }
0x32: {  	s10 =	sld [smem:$0x3FB8];
	_ =	sdelay $0x3  }
0x33: {  	p0 =	seq.s32 s10, $0x1;
	s10 =	sld [smem:$0x3FBA];
	_ =	sdelay $0x3  }
0x34: {  	[smem:$0x3FBA] =	sst s10  }
0x35: {  	s10 =	sld [smem:$0x3FB9];
	_ =	sdelay $0x3  }
0x36: {  	p1 =	seq.s32 s10, $0x1;
	s10 =	sld [smem:$0x3FBA];
	_ =	sdelay $0x3  }
0x37: {  	[smem:$0x3FBA] =	sst s10  }
0x38: {  	s10 =	sld [smem:$0x3FBB]  }
0x39: {  	_ = 	snop;
	(pc) =	sbr.ind lr, $3  }
0x3a: {  	_ = 	snop  }
0x3b: {  	_ = 	snop  }
0x3c: {  	p2 =	seq.s32 s10, $0x1;
	s10 =	sld [smem:$0x3FBA]  }
0x3d: {  	_ =	shalt  }
0x3e: {  	_ =	shalt  }
0x3f: {  	_ =	shalt  }
0x40: {  	_ =	shalt  }
0x41: {  	_ =	shalt  }
0x42: {  	_ =	shalt  }
0x43: {  	_ =	shalt  }
0x44: {  	_ =	shalt  }
0x45: {  	_ =	shalt  }
0x46: {  	_ =	shalt  }
0x47: {  	_ =	shalt  }
0x48: {  	_ =	shalt  }
0x49: {  	_ =	shalt  }
0x4a: {  	_ =	shalt  }
0x4b: {  	_ =	shalt  }
0x4c: {  	_ =	shalt  }
0x4d: {  	_ =	shalt  }
0x4e: {  	_ =	shalt  }
0x4f: {  	_ =	shalt  }
0x50: {  	_ =	shalt  }
0x51: {  	_ =	shalt  }
0x52: {  	_ =	shalt  }
0x53: {  	_ =	shalt  }
0x54: {  	_ =	shalt  }
0x55: {  	_ =	shalt  }
0x56: {  	_ =	shalt  }
0x57: {  	_ =	shalt  }
0x58: {  	_ =	shalt  }
0x59: {  	_ =	shalt  }
0x5a: {  	_ =	shalt  }
0x5b: {  	_ =	shalt  }
0x5c: {  	_ =	shalt  }
0x5d: {  	_ =	shalt  }
0x5e: {  	_ =	shalt  }
0x5f: {  	_ =	shalt  }
0x60: {  	_ =	shalt  }
0x61: {  	_ =	shalt  }
0x62: {  	_ =	shalt  }
0x63: {  	_ =	shalt  }
0x64: {  	_ =	shalt  }
0x65: {  	_ =	shalt  }
0x66: {  	_ =	shalt  }
0x67: {  	_ =	shalt  }
0x68: {  	_ =	shalt  }
0x69: {  	_ =	shalt  }
0x6a: {  	_ =	shalt  }
0x6b: {  	_ =	shalt  }
0x6c: {  	_ =	shalt  }
0x6d: {  	_ =	shalt  }
0x6e: {  	_ =	shalt  }
0x6f: {  	_ =	shalt  }
0x70: {  	_ =	shalt  }
0x71: {  	_ =	shalt  }
0x72: {  	_ =	shalt  }
0x73: {  	_ =	shalt  }
0x74: {  	_ =	shalt  }
0x75: {  	_ =	shalt  }
0x76: {  	_ =	shalt  }
0x77: {  	_ =	shalt  }
0x78: {  	_ =	shalt  }
0x79: {  	_ =	shalt  }
0x7a: {  	_ =	shalt  }
0x7b: {  	_ =	shalt  }
0x7c: {  	_ =	shalt  }
0x7d: {  	_ =	shalt  }
0x7e: {  	_ =	shalt  }
0x7f: {  	_ =	shalt  }
0x80: {  	_ =	shalt  }
0x81: {  	_ =	shalt  }
0x82: {  	_ =	shalt  }
0x83: {  	_ =	shalt  }
0x84: {  	_ =	shalt  }
0x85: {  	_ =	shalt  }
0x86: {  	_ =	shalt  }
0x87: {  	_ =	shalt  }
.Lfunc_end0:
.L_simem_size_0:
called_computation_lowered:
.L_overlay_start_0:
0x88: {  	s2 =	sld [smem:$0x3FD9]  }
0x89: {  	s3 =	sld [smem:$0x3FFE];
	_ =	sdelay $0x1  }
0x8a: {  	s1 =	srdreg.scid  }
0x8b: {  	s0 =	sand.u32 $0x1, s1  }
0x8c: {  	s17 =	sshll.u32 s0, $0xA;
	s2 =	sadd.s32 s3, s2  }
0x8d: {  	s2 =	sadd.s32 s2, s17  }
0x8e: {  	[smem:$0x3FC6] =	sst s2  }
0x8f: {  	_ = 	snop  }
0x90: {  	s2 =	sld [smem:$0x3FD0];
	(tm) =	ssettm $0x1  }
0x91: {  	s18 =	sld [smem:$0x3FFB];
	_ =	sdelay $0x3  }
0x92: {  	_ =	strace s18  }
0x93: {  	s3 =	sld [smem:$0x3FFC];
	_ =	sdelay $0x3  }
0x94: {  	_ =	strace s3  }
0x95: {  	s3 =	sld [smem:$0x3FFD];
	_ =	sdelay $0x3  }
0x96: {  	_ =	strace s3  }
0x97: {  	_ =	strace $0x8FFFFFFF  }
0x98: {  	s19 =	sld [smem:$0x3FDB];
	_ =	sdelay $0x1  }
0x99: {  	s4 =	simm.s32 $_scs_section_size  }
0x9a: {  	s5 =	simm.s32 $_size__tile_overlayer_lowered;
	s6 =	simm.s32 $_tile_overlayer_lowered  }
0x9b: {  	s22 =	simm.s32 $0x1BFF;
	s21 =	sshll.u32 s6, $0x1;
	s3 =	sadd.s32 s4, s19  }
0x9c: {  	s7 =	simm.s32 $0x0;
	s20 =	sshll.u32 s5, $0x1;
	s5 =	sadd.s32 s21, s3  }
0x9d: {  	[timem:s7], [sflag:s22] =	dma.local [hbm:s5], s20  }
0x9e: {  	_ =	swait.ge [sflag:s22], s20  }
0x9f: {  	s4 =	ssub.s32 $0x0, s20;
	[sflag:s22] =	ssyncset.done $0x0  }
0xa0: {  	[sflag:s22] =	ssyncadd.s32 s4;
	_ =	sdelay $0x1  }
0xa1: {  	s23 =	simm.s32 $0x1B8B  }
0xa2: {  	_ =	swait.ge [sflag:s23], $0x1  }
0xa3: {  	[sflag:s23] =	ssyncset.done $0x0  }
0xa4: {  	s25 =	simm.s32 $0x1B8E;
	s24 =	sld [smem:$0x3FFE];
	[sflag:s23] =	ssyncadd.s32 $0xFFFFFFFF  }
0xa5: {  	s26 =	simm.s32 $execute0_lowered;
	[smem:$0x3FD2] =	sst s25  }
0xa6: {  	s5 =	sshll.u32 s26, $0x1;
	_ =	strace $0x80000046;
	[dreg:$0x1] =	wrdreg $0xFFFFFFFF  }
0xa7: {  	s28 =	simm.s32 $_size_execute0_lowered;
	s3 =	sadd.s32 s3, s5;
	[dreg:$0x0] =	wrdreg $0x0  }
0xa8: {  	s5 =	sshll.u32 s28, $0x1;
	[dreg:$0x2] =	wrdreg s3  }
0xa9: {  	[dreg:$0x3] =	wrdreg s5  }
0xaa: {  	[dreg:$0x4] =	wrdreg $0xC0  }
0xab: {  	_ =	task [dreg:s7], $0x5FFFF  }
0xac: {  	[dreg:$0x1] =	wrdreg $0xFFFFFFFF  }
0xad: {  	[dreg:$0x0] =	wrdreg $0x60  }
0xae: {  	[dreg:$0x2] =	wrdreg s24  }
0xaf: {  	[dreg:$0x3] =	wrdreg s2  }
0xb0: {  	[dreg:$0x4] =	wrdreg $0x9  }
0xb1: {  	_ =	task.clear_ibuf [dreg:s7], $0x5FFFF;
	_ =	strace $0x90000046  }
0xb2: {  	s29 =	simm.s32 $0x9;
	_ =	strace $0x80000048  }
0xb3: {  	_ =	swait.ge [sflag:s29], $0x1  }
0xb4: {  	[sflag:s29] =	ssyncadd.s32 $0xFFFFFFFF  }
0xb5: {  	_ =	strace $0x90000048  }
0xb6: {  	_ =	sfence  }
0xb7: {  	s30 =	sld [smem:$0x0];
	_ =	sdelay $0x2  }
0xb8: {  	s31 =	sshll.u32 s1, $0xD;
	s1 =	sshrl.u32 s1, $0x2  }
0xb9: {  	s3 =	sand.u32 $0x4000, s31;
	s1 =	sadd.s32 s1, s30  }
0xba: {  	s0 =	sor.u32 s3, s0;
	s1 =	sshll.u32 s1, $0x11  }
0xbb: {  	s0 =	sor.u32 s1, s0  }
0xbc: {  	s0 =	sadd.s32 $0x8F2B, s0  }
0xbd: {  	[sflag:s0] =	ssyncadd.remote.s32 $0x1  }
0xbe: {  	_ =	sfence.sel $0xFFFF  }
0xbf: {  	[dreg:$0x0] =	wrdreg $0xFFFFFFFF;
	(pc) =	sbr.abs _section_cstart, $3  }
0xc0: {  	[dreg:$0x1] =	wrdreg $0xFFFFFFFF  }
0xc1: {  	_ =	task.clear_ibuf [dreg:s7], $0x2FFFF;
	_ =	strace $0x9FFFFFFF  }
0xc2: {  	(tm) =	ssettm $0x7FFFFFFF  }
0xc3: {  	_ =	shalt  }
tec
execute0_lowered:
.L_overlay_start_1:
0x0: {  	(tag) =	ssettag $0x1  }
0x1: {  	s7 =	rddreg [dreg:$0x0]  }
0x2: {  	s1 =	rddreg [dreg:$0x1]  }
0x3: {  	s0 =	rddreg [dreg:$0x2];
	s2 =	simm.s32 $0x0;
	s3 =	srdreg.scid  }
0x4: {  	s11 =	simm.s32 $0x3;
	s12 =	simm.s32 $0x1B0;
	s13 =	simm.s32 $0x80  }
0x5: {  	s14 =	simm.s32 $0x100000;
	s15 =	simm.s32 $0x2;
	s16 =	simm.s32 $0x81C0  }
0x6: {  	s17 =	simm.s32 $0xC1C0;
	s18 =	simm.s32 $0x0;
	[smem:$0x7FF] =	sst s2  }
0x7: {  	s8 =	sand.u32 $0x1, s3;
	s4 =	sadd.s32 $0xC00, s7;
	s5 =	sadd.s32 $0x60C00, s7  }
0x8: {  	s6 =	sadd.s32 $0x60E00, s7;
	s3 =	stileid.u32;
	s9 =	ssub.s32 $0x2, s8  }
0x9: {  	s7 =	sadd.s32 $0x61000, s7;
	_ =	strace $0x80000047;
	s10 =	sshrl.u32 s9, $0x1  }
0xa: {  	v0 =	vlaneseq.u32;
	s31 =	sshll.u32 s3, $0x10;
	s8 =	sshll.u32 s8, $0xF;
	s9 =	ssub.s32 s9, s10  }
0xb: {  	v1 =	vmul.u32 $0x8, v0;
	s8 =	sor.u32 s8, s31;
	s10 =	simm.s32 $0x180;
	s9 =	smax.u32 s9, $0x1  }
.LBB2_1:
0xc: {  	[tilespmem:s10], [sflag:$0x3] =	stream.linear.gather [hbm4b:s5+s2], $0x30, $0x38;
	[tilespmem:$0xD1C0] =	vst v63  }
0xd: {  	_ =	swait.ge [sflag:s11], $0x30  }
0xe: {  	[sflag:s11] =	ssyncset.done $0x0  }
0xf: {  	[sflag:s11] =	ssyncadd.s32 $0xFFFFFFD0  }
0x10: {  	[tilespmem:s12], [sflag:$0x3] =	stream.linear.gather [hbm4b:s6+s2], $0x10, $0x38;
	[tilespmem:$0xD1C0] =	vst v63  }
0x11: {  	_ =	swait.ge [sflag:s11], $0x10  }
0x12: {  	[sflag:s11] =	ssyncset.done $0x0  }
0x13: {  	s19 =	simm.s32 $0x0;
	[sflag:s11] =	ssyncadd.s32 $0xFFFFFFF0  }
.LBB2_2:
0x14: {  	s20 =	sshll.u32 s19, $0x7  }
0x15: {  	s20 =	sadd.s32 s8, s20  }
0x16: {  	s21 =	sshrl.u32 s20, $0x3  }
0x17: {  	s22 =	sadd.s32 s4, s21;
	s21 =	simm.s32 $0x0  }
0x18: {  	[tilespmem:s21], [sflag:$0x3] =	stream.strided.gather [hbm4b:s22+s13], $0x180, s14, s13, $0x38;
	[tilespmem:$0xD1C0] =	vst v63  }
0x19: {  	_ =	swait.ge [sflag:s11], $0x180  }
0x1a: {  	[sflag:s11] =	ssyncset.done $0x0  }
0x1b: {  	s23 =	simm.s32 $0x3C0;
	s22 =	simm.s32 $0x43C0;
	[sflag:s11] =	ssyncadd.s32 $0xFFFFFE80  }
.LBB2_3:
0x1c: {  	v2 =	vmov s21;
	_ =	sdelay $0x2  }
0x1d: {  	s24 =	simm.s32 $0x0  }
0x1e: {  	v3 =	vand.u32 $0xF, v2;
	v6 =	vld [tilespmem:s24+$0x80]  }
0x1f: {  	v4 =	vor.u32 $0x20, v3;
	v5 =	vld.idx.msk [tilespmem:v2+s12+$0x0], $0xffff  }
0x20: {  	v7 =	vld [tilespmem:s24+$0x100]  }
0x21: {  	v8 =	vld [tilespmem:s24+$0x0]  }
0x22: {  	v3 =	vor.u32 $0x10, v3;
	_ =	sdelay $0x1  }
0x23: {  	v4 =	vld.idx.msk [tilespmem:v4+s10+$0x0], $0xffff;
	v9 =	vmul.f32 v6, v5  }
0x24: {  	v10 =	vmul.f32 v7, v5  }
0x25: {  	v6 =	vld.idx.msk [tilespmem:v2+s10+$0x0], $0xffff;
	v8 =	vmul.f32 v8, v5;
	v9 =	vadd.f32 $5.000000000e-01, v9  }
0x26: {  	s25 =	sshll.u32 s21, $0x13;
	v7 =	vld.idx.msk [tilespmem:v3+s10+$0x0], $0xffff;
	v10 =	vadd.f32 $5.000000000e-01, v10  }
0x27: {  	v2 =	vmov s25;
	v8 =	vadd.f32 $5.000000000e-01, v8;
	v3 =	vtrunc.f32 v9  }
0x28: {  	vm0 =	vgt.s32 v4, $0x0;
	v4 =	vtrunc.f32 v10;
	v11 =	vcvt.f32.s32 v3  }
0x29: {  	v12 =	vtrunc.f32 v8;
	v3 =	vmov s23;
	v14 =	vcvt.f32.s32 v4  }
0x2a: {  	v4 =	vmov s22;
	v12 =	vcvt.f32.s32 v12;
	v15 =	vcvt.s32.f32 v11  }
0x2b: {  	v16 =	vcvt.s32.f32 v14;
	v13 =	vmul.u32 v11, v6;
	v23 =	vmul.u32 v14, v7  }
0x2c: {  	v11 =	vcvt.s32.f32 v12;
	v15 =	vsub.f32 v9, v15;
	v9 =	vadd.s32 $0x1, v12  }
0x2d: {  	v16 =	vsub.f32 v10, v16;
	v14 =	vadd.s32 v6, v13;
	v10 =	vadd.s32 v13, v23  }
0x2e: {  	v8 =	vsub.f32 v8, v11;
	v11 =	vxor.u32 v13, v23;
	v17 =	vadd.s32 v12, v10  }
0x2f: {  	v24 =	vxor.u32 v9, v11;
	v18 =	vxor.u32 v12, v11;
	v25 =	vadd.s32 v9, v10  }
0x30: {  	v19 =	vsub.f32 $1.000000000e+00, v15;
	v20 =	vsub.f32 $1.000000000e+00, v16;
	v10 =	vmul.f32 v16, v15  }
0x31: {  	v11 =	vsub.f32 $1.000000000e+00, v8;
	v17 =	vsel vm0, v17, v18;
	v18 =	vadd.s32 v7, v23  }
0x32: {  	v24 =	vsel vm0, v25, v24;
	v17 =	vand.u32 $0x7FFFF, v17;
	v26 =	vmul.f32 v20, v19  }
0x33: {  	v25 =	vand.u32 $0x7FFFF, v24;
	v21 =	vmul.f32 v20, v15;
	v22 =	vor.u32 v2, v17  }
0x34: {  	v20 =	vmul.f32 v26, v11;
	v17 =	vmul.f32 v26, v8;
	v26 =	vadd.s32 v23, v14  }
0x35: {  	s25 =	simm.s32 $0x40;
	v24 =	vxor.u32 v23, v14;
	v15 =	vmul.f32 v21, v11;
	v23 =	vadd.s32 v12, v26  }
.LBB2_4:
0x36: {  	p0 =	sne.s32 s25, $0x1C0;
	v26 =	vadd.s32 v9, v26;
	v27 =	vxor.u32 v9, v24;
	v28 =	vadd.s32 v14, v18;
	s26 =	smov.u32 s25;
	s25 =	sadd.s32 $0x40, s25  }
0x37: {  	v16 =	vmul.f32 v16, v19;
	v26 =	vsel vm0, v26, v27;
	v27 =	vxor.u32 v13, v18  }
0x38: {  	v21 =	vmul.f32 v21, v8;
	v14 =	vxor.u32 v14, v18;
	[tilespmem:v3+s24+$0xFFFFFE00 ss:$0x1] =	vst.idx.msk $0xffff, v22;
	v19 =	vand.u32 $0x7FFFF, v26  }
0x39: {  	v24 =	vxor.u32 v12, v24;
	v22 =	vor.u32 v2, v25;
	v25 =	vmul.f32 v16, v11  }
0x3a: {  	v23 =	vsel vm0, v23, v24;
	v24 =	vxor.u32 v12, v14;
	v26 =	vadd.s32 v9, v28  }
0x3b: {  	v13 =	vadd.s32 v13, v18;
	v18 =	vadd.s32 v12, v28;
	[tilespmem:v4+s24+$0xFFFFFE00 ss:$0x1] =	vst.idx.msk $0xffff, v20;
	v20 =	vand.u32 $0x7FFFF, v23  }
0x3c: {  	[tilespmem:v3+s24+$0xFFFFFE80 ss:$0x1] =	vst.idx.msk $0xffff, v22;
	v20 =	vor.u32 v2, v20;
	v22 =	vxor.u32 v9, v27  }
0x3d: {  	s26 =	sshra.s32 s26, $0x2;
	[tilespmem:v4+s24+$0xFFFFFE80 ss:$0x1] =	vst.idx.msk $0xffff, v17;
	v17 =	vadd.s32 v12, v13;
	v12 =	vxor.u32 v12, v27  }
0x3e: {  	v19 =	vor.u32 v2, v19;
	[tilespmem:v3+s24+$0xFFFFFF00 ss:$0x1] =	vst.idx.msk $0xffff, v20;
	v12 =	vsel vm0, v17, v12  }
0x3f: {  	v13 =	vadd.s32 v9, v13;
	[tilespmem:v4+s24+$0xFFFFFF00 ss:$0x1] =	vst.idx.msk $0xffff, v15;
	v12 =	vand.u32 $0x7FFFF, v12;
	v15 =	vsel vm0, v18, v24  }
0x40: {  	v13 =	vsel vm0, v13, v22;
	[tilespmem:v3+s24+$0xFFFFFF80 ss:$0x1] =	vst.idx.msk $0xffff, v19;
	v12 =	vor.u32 v2, v12;
	v15 =	vand.u32 $0x7FFFF, v15  }
0x41: {  	v16 =	vmul.f32 v16, v8;
	v9 =	vxor.u32 v9, v14;
	v13 =	vand.u32 $0x7FFFF, v13;
	[tilespmem:v4+s24+$0xFFFFFF80 ss:$0x1] =	vst.idx.msk $0xffff, v21  }
0x42: {  	v9 =	vsel vm0, v26, v9;
	[tilespmem:v3+s24+$0x0 ss:$0x1] =	vst.idx.msk $0xffff, v12;
	v12 =	vor.u32 v2, v13  }
0x43: {  	v8 =	vmul.f32 v10, v8;
	v9 =	vand.u32 $0x7FFFF, v9;
	[tilespmem:v4+s24+$0x0 ss:$0x1] =	vst.idx.msk $0xffff, v25  }
0x44: {  	v10 =	vmul.f32 v10, v11;
	[tilespmem:v3+s24+$0x80 ss:$0x1] =	vst.idx.msk $0xffff, v12;
	v12 =	vor.u32 v2, v15  }
0x45: {  	[tilespmem:v4+s24+$0x80 ss:$0x1] =	vst.idx.msk $0xffff, v16  }
0x46: {  	v9 =	vor.u32 v2, v9;
	[tilespmem:v3+s24+$0x100 ss:$0x1] =	vst.idx.msk $0xffff, v12  }
0x47: {  	[tilespmem:v4+s24+$0x100 ss:$0x1] =	vst.idx.msk $0xffff, v10  }
0x48: {  	[tilespmem:v3+s24+$0x180 ss:$0x1] =	vst.idx.msk $0xffff, v9  }
0x49: {  	[tilespmem:v4+s24+$0x180 ss:$0x1] =	vst.idx.msk $0xffff, v8;
	s24 =	smov.u32 s26  }
0x4a: {  	v8 =	vld [tilespmem:s24+$0x80]  }
0x4b: {  	v9 =	vld [tilespmem:s24+$0x100]  }
0x4c: {  	v10 =	vld [tilespmem:s24+$0x0];
	_ =	sdelay $0x2  }
0x4d: {  	v8 =	vmul.f32 v8, v5  }
0x4e: {  	v9 =	vmul.f32 v9, v5  }
0x4f: {  	v10 =	vmul.f32 v10, v5;
	v8 =	vadd.f32 $5.000000000e-01, v8  }
0x50: {  	v11 =	vadd.f32 $5.000000000e-01, v9  }
0x51: {  	v10 =	vadd.f32 $5.000000000e-01, v10;
	v9 =	vtrunc.f32 v8  }
0x52: {  	v9 =	vcvt.f32.s32 v9;
	v12 =	vtrunc.f32 v11  }
0x53: {  	v13 =	vtrunc.f32 v10;
	v14 =	vcvt.f32.s32 v12  }
0x54: {  	v12 =	vcvt.f32.s32 v13;
	v15 =	vcvt.s32.f32 v9  }
0x55: {  	v13 =	vmul.u32 v9, v6;
	v16 =	vcvt.s32.f32 v14;
	v23 =	vmul.u32 v14, v7  }
0x56: {  	v17 =	vcvt.s32.f32 v12;
	v15 =	vsub.f32 v8, v15;
	v9 =	vadd.s32 $0x1, v12  }
0x57: {  	v14 =	vadd.s32 v6, v13;
	v16 =	vsub.f32 v11, v16;
	v11 =	vadd.s32 v13, v23  }
0x58: {  	v8 =	vsub.f32 v10, v17;
	v10 =	vxor.u32 v13, v23;
	v17 =	vadd.s32 v12, v11  }
0x59: {  	v19 =	vsub.f32 $1.000000000e+00, v15;
	v20 =	vsub.f32 $1.000000000e+00, v16;
	v24 =	vxor.u32 v9, v10  }
0x5a: {  	v25 =	vadd.s32 v9, v11;
	v18 =	vxor.u32 v12, v10;
	v10 =	vmul.f32 v16, v15  }
.Ltmp0:
0x5b: {  	v11 =	vsub.f32 $1.000000000e+00, v8;
	v17 =	vsel vm0, v17, v18;
	v26 =	vmul.f32 v20, v19;
	(pc) =	sbr.rel @p0 .LBB2_4-.Ltmp0, $4  }
0x5c: {  	v18 =	vadd.s32 v7, v23;
	v17 =	vand.u32 $0x7FFFF, v17;
	v21 =	vmul.f32 v20, v15  }
0x5d: {  	v22 =	vor.u32 v2, v17;
	v20 =	vmul.f32 v26, v11;
	v17 =	vmul.f32 v26, v8  }
0x5e: {  	v24 =	vsel vm0, v25, v24;
	v26 =	vadd.s32 v23, v14;
	v15 =	vmul.f32 v21, v11  }
0x5f: {  	v25 =	vand.u32 $0x7FFFF, v24;
	v24 =	vxor.u32 v23, v14;
	v23 =	vadd.s32 v12, v26  }
0x60: {  	_ =	sdelay $0x2  }
0x61: {  	v5 =	vadd.s32 v9, v26;
	v6 =	vxor.u32 v9, v24;
	v7 =	vadd.s32 v14, v18  }
0x62: {  	v46 =	vxor.u32 v13, v18;
	v16 =	vmul.f32 v16, v19;
	[tilespmem:v3+s24+$0xFFFFFE00 ss:$0x1] =	vst.idx.msk $0xffff, v22  }
0x63: {  	v47 =	vmul.f32 v21, v8;
	v48 =	vxor.u32 v14, v18;
	v49 =	vor.u32 v2, v25  }
0x64: {  	v50 =	vxor.u32 v12, v24;
	v54 =	vadd.s32 v13, v18;
	v5 =	vsel vm0, v5, v6  }
0x65: {  	v22 =	vsel vm0, v23, v50;
	v52 =	vxor.u32 v12, v48;
	[tilespmem:v4+s24+$0xFFFFFE00 ss:$0x1] =	vst.idx.msk $0xffff, v20  }
0x66: {  	v53 =	vadd.s32 v9, v7;
	v7 =	vadd.s32 v12, v7;
	v22 =	vand.u32 $0x7FFFF, v22;
	[tilespmem:v3+s24+$0xFFFFFE80 ss:$0x1] =	vst.idx.msk $0xffff, v49  }
0x67: {  	v56 =	vadd.s32 v12, v54;
	v55 =	vor.u32 v2, v22;
	[tilespmem:v4+s24+$0xFFFFFE80 ss:$0x1] =	vst.idx.msk $0xffff, v17  }
0x68: {  	v57 =	vxor.u32 v12, v46;
	v6 =	vxor.u32 v9, v46;
	v5 =	vand.u32 $0x7FFFF, v5;
	[tilespmem:v3+s24+$0xFFFFFF00 ss:$0x1] =	vst.idx.msk $0xffff, v55  }
0x69: {  	v12 =	vsel vm0, v56, v57;
	v5 =	vor.u32 v2, v5;
	[tilespmem:v4+s24+$0xFFFFFF00 ss:$0x1] =	vst.idx.msk $0xffff, v15  }
0x6a: {  	v13 =	vadd.s32 v9, v54;
	v51 =	vmul.f32 v16, v11;
	v12 =	vand.u32 $0x7FFFF, v12;
	[tilespmem:v3+s24+$0xFFFFFF80 ss:$0x1] =	vst.idx.msk $0xffff, v5  }
0x6b: {  	v6 =	vsel vm0, v13, v6;
	v58 =	vor.u32 v2, v12;
	[tilespmem:v4+s24+$0xFFFFFF80 ss:$0x1] =	vst.idx.msk $0xffff, v47  }
0x6c: {  	v7 =	vsel vm0, v7, v52;
	v6 =	vand.u32 $0x7FFFF, v6;
	[tilespmem:v3+s24+$0x0 ss:$0x1] =	vst.idx.msk $0xffff, v58  }
0x6d: {  	s21 =	sadd.s32 $0x1, s21;
	v59 =	vmul.f32 v16, v8;
	v6 =	vor.u32 v2, v6;
	[tilespmem:v4+s24+$0x0 ss:$0x1] =	vst.idx.msk $0xffff, v51  }
0x6e: {  	v62 =	vmul.f32 v10, v11;
	v60 =	vxor.u32 v9, v48;
	p0 =	sne.s32 s21, $0x10;
	v7 =	vand.u32 $0x7FFFF, v7;
	[tilespmem:v3+s24+$0x80 ss:$0x1] =	vst.idx.msk $0xffff, v6  }
.Ltmp1:
0x6f: {  	v61 =	vor.u32 v2, v7;
	v5 =	vsel vm0, v53, v60;
	[tilespmem:v4+s24+$0x80 ss:$0x1] =	vst.idx.msk $0xffff, v59;
	(pc) =	sbr.rel @p0 .LBB2_3-.Ltmp1, $4  }
0x70: {  	v5 =	vand.u32 $0x7FFFF, v5;
	[tilespmem:v3+s24+$0x100 ss:$0x1] =	vst.idx.msk $0xffff, v61  }
0x71: {  	v63 =	vmul.f32 v10, v8;
	v2 =	vor.u32 v2, v5;
	[tilespmem:v4+s24+$0x100 ss:$0x1] =	vst.idx.msk $0xffff, v62  }
0x72: {  	[tilespmem:v3+s24+$0x180 ss:$0x1] =	vst.idx.msk $0xffff, v2  }
0x73: {  	s22 =	sadd.s32 $0x400, s22;
	s23 =	sadd.s32 $0x400, s23;
	[tilespmem:v4+s24+$0x180 ss:$0x1] =	vst.idx.msk $0xffff, v63  }
.Ltmp2:
0x74: {  	(pc) =	sbr.rel .LBB2_7-.Ltmp2, $2  }
0x75: {  	_ =	sdelay $0x2  }
0x76: {  	s21 =	simm.s32 $0x0;
	s22 =	simm.s32 $0x3FC0  }
.LBB2_11:
0x77: {  	s21 =	sadd.s32 $0x1, s21  }
0x78: {  	p0 =	sne.s32 s21, $0x10  }
.Ltmp3:
0x79: {  	_ = 	snop;
	(pc) =	sbr.rel @!p0 .LBB2_12-.Ltmp3, $2  }
0x7a: {  	_ =	sdelay $0x2  }
0x7b: {  	s22 =	sadd.s32 $0x400, s22  }
.LBB2_7:
0x7c: {  	s23 =	sand.u32 $0x1, s21;
	s24 =	sshll.u32 s21, $0xA  }
0x7d: {  	s25 =	sshll.u32 s23, $0xD;
	s24 =	sand.u32 $0x3FFFFC00, s24  }
0x7e: {  	s23 =	sadd.s32 $0x1, s23;
	s26 =	sor.u32 $0x81C0, s25;
	s28 =	sor.u32 $0x1C0, s24  }
0x7f: {  	[tilespmem:s26], [sflag:s23] =	stream.indirect.gather [hbm4b:s1+s13], $0x2, s28, s13, $0xb8;
	[tilespmem:$0xD1C0] =	vst v63  }
0x80: {  	s29 =	sor.u32 $0x85C0, s25;
	s30 =	sor.u32 $0x240, s24  }
0x81: {  	[tilespmem:s29], [sflag:s23] =	stream.indirect.gather [hbm4b:s1+s13], $0x2, s30, s13, $0xb8;
	[tilespmem:$0xD1C0] =	vst v63  }
0x82: {  	s31 =	sor.u32 $0x89C0, s25;
	s29 =	sor.u32 $0x2C0, s24  }
0x83: {  	[tilespmem:s31], [sflag:s23] =	stream.indirect.gather [hbm4b:s1+s13], $0x2, s29, s13, $0xb8;
	[tilespmem:$0xD1C0] =	vst v63  }
0x84: {  	s30 =	sor.u32 $0x8DC0, s25;
	s31 =	sor.u32 $0x340, s24  }
0x85: {  	[tilespmem:s30], [sflag:s23] =	stream.indirect.gather [hbm4b:s1+s13], $0x2, s31, s13, $0xb8;
	[tilespmem:$0xD1C0] =	vst v63  }
0x86: {  	s29 =	sor.u32 $0x91C0, s25;
	s30 =	sor.u32 $0x3C0, s24  }
0x87: {  	[tilespmem:s29], [sflag:s23] =	stream.indirect.gather [hbm4b:s1+s13], $0x2, s30, s13, $0xb8;
	[tilespmem:$0xD1C0] =	vst v63  }
0x88: {  	p0 =	seq.s32 s21, $0x0;
	s31 =	sor.u32 $0x95C0, s25;
	s29 =	sadd.s32 $0x440, s24  }
0x89: {  	[tilespmem:s31], [sflag:s23] =	stream.indirect.gather [hbm4b:s1+s13], $0x2, s29, s13, $0xb8;
	[tilespmem:$0xD1C0] =	vst v63  }
.Ltmp4:
0x8a: {  	_ = 	snop;
	(pc) =	sbr.rel @p0 .LBB2_11-.Ltmp4, $4  }
0x8b: {  	s30 =	sor.u32 $0x99C0, s25;
	s31 =	sadd.s32 $0x4C0, s24  }
0x8c: {  	[tilespmem:s30], [sflag:s23] =	stream.indirect.gather [hbm4b:s1+s13], $0x2, s31, s13, $0xb8;
	[tilespmem:$0xD1C0] =	vst v63  }
0x8d: {  	s25 =	sor.u32 $0x9DC0, s25;
	s24 =	sadd.s32 $0x540, s24  }
0x8e: {  	[tilespmem:s25], [sflag:s23] =	stream.indirect.gather [hbm4b:s1+s13], $0x2, s24, s13, $0xb8;
	[tilespmem:$0xD1C0] =	vst v63  }
0x8f: {  	s23 =	sadd.s32 $0xFFFFFFFF, s21  }
0x90: {  	s24 =	sand.u32 $0x1, s23  }
0x91: {  	s25 =	sadd.s32 $0x1, s24  }
0x92: {  	_ =	swait.ge [sflag:s25], $0x100  }
0x93: {  	[sflag:s25] =	ssyncset.done $0x0  }
0x94: {  	[sflag:s25] =	ssyncadd.s32 $0xFFFFFF00  }
0x95: {  	_ =	swait.ge [sflag:s25], $0x100  }
0x96: {  	[sflag:s25] =	ssyncset.done $0x0  }
0x97: {  	[sflag:s25] =	ssyncadd.s32 $0xFFFFFF00  }
0x98: {  	_ =	swait.ge [sflag:s25], $0x100  }
0x99: {  	[sflag:s25] =	ssyncset.done $0x0  }
0x9a: {  	[sflag:s25] =	ssyncadd.s32 $0xFFFFFF00  }
0x9b: {  	_ =	swait.ge [sflag:s25], $0x100  }
0x9c: {  	[sflag:s25] =	ssyncset.done $0x0  }
0x9d: {  	[sflag:s25] =	ssyncadd.s32 $0xFFFFFF00  }
0x9e: {  	s26 =	simm.s32 $0x300;
	s31 =	simm.s32 $0x180;
	_ =	swait.ge [sflag:s25], $0x100  }
0x9f: {  	s28 =	simm.s32 $0x200;
	s29 =	simm.s32 $0x280;
	v3 =	vmov s26;
	[sflag:s25] =	ssyncset.done $0x0  }
0xa0: {  	s30 =	simm.s32 $0x80;
	v4 =	vmov s31;
	v5 =	vmov s28;
	s31 =	simm.s32 $0x100;
	v6 =	vmov s29;
	[sflag:s25] =	ssyncadd.s32 $0xFFFFFF00  }
0xa1: {  	v8 =	vmov s30;
	v9 =	vmov s31;
	v6 =	vshll.u32 v6, $0x3;
	_ =	swait.ge [sflag:s25], $0x100  }
0xa2: {  	s24 =	sshll.u32 s24, $0xD;
	v3 =	vshll.u32 v3, $0x3;
	v5 =	vshll.u32 v5, $0x3;
	v4 =	vshll.u32 v4, $0x3;
	[sflag:s25] =	ssyncset.done $0x0  }
0xa3: {  	v8 =	vshll.u32 v8, $0x3;
	v2 =	vmov s24;
	v3 =	vor.u32 v1, v3;
	[sflag:s25] =	ssyncadd.s32 $0xFFFFFF00  }
0xa4: {  	v9 =	vshll.u32 v9, $0x3;
	v6 =	vor.u32 v1, v6;
	v10 =	vadd.s32 v2, v3;
	_ =	swait.ge [sflag:s25], $0x100  }
0xa5: {  	v3 =	vor.u32 v1, v5;
	v11 =	vadd.s32 v2, v6;
	v5 =	vor.u32 $0x1, v10;
	[sflag:s25] =	ssyncset.done $0x0  }
0xa6: {  	v4 =	vor.u32 v1, v4;
	v12 =	vadd.s32 v2, v3;
	v3 =	vor.u32 $0x1, v11;
	[sflag:s25] =	ssyncadd.s32 $0xFFFFFF00  }
0xa7: {  	v6 =	vor.u32 v1, v9;
	v9 =	vadd.s32 v2, v4;
	v4 =	vor.u32 $0x1, v12;
	_ =	swait.ge [sflag:s25], $0x100  }
0xa8: {  	s26 =	simm.s32 $0x0;
	v8 =	vor.u32 v1, v8;
	v6 =	vadd.s32 v2, v6;
	v13 =	vor.u32 $0x1, v9;
	[sflag:s25] =	ssyncset.done $0x0  }
0xa9: {  	v7 =	vor.u32 s26, v0;
	v8 =	vadd.s32 v2, v8;
	v15 =	vor.u32 $0x1, v6;
	[sflag:s25] =	ssyncadd.s32 $0xFFFFFF00  }
0xaa: {  	v14 =	vshll.u32 v7, $0x3;
	v16 =	vor.u32 $0x1, v8;
	v17 =	vld.idx.msk [tilespmem:v5+s16+$0x0], $0xffff  }
0xab: {  	v14 =	vadd.s32 v2, v14;
	v18 =	vld.idx.msk [tilespmem:v3+s16+$0x0], $0xffff  }
0xac: {  	v19 =	vld.idx.msk [tilespmem:v4+s16+$0x0], $0xffff  }
0xad: {  	v13 =	vld.idx.msk [tilespmem:v13+s16+$0x0], $0xffff  }
0xae: {  	v5 =	vor.u32 $0x1, v14;
	v15 =	vld.idx.msk [tilespmem:v15+s16+$0x0], $0xffff  }
0xaf: {  	v16 =	vld.idx.msk [tilespmem:v16+s16+$0x0], $0xffff  }
0xb0: {  	s28 =	simm.s32 $0x390;
	s29 =	simm.s32 $0x310;
	s30 =	simm.s32 $0x90;
	v14 =	vld.idx.msk [tilespmem:v14+s16+$0x0], $0xffff  }
0xb1: {  	v23 =	vmov s28;
	v25 =	vmov s29;
	s31 =	simm.s32 $0x110;
	v31 =	vmov s30;
	v22 =	vld [tilespmem:s22+$0xFFFFFE00]  }
0xb2: {  	v23 =	vshll.u32 v23, $0x3;
	v32 =	vmov s31;
	v7 =	vshll.u32 v7, $0x5;
	v8 =	vld.idx.msk [tilespmem:v8+s16+$0x0], $0xffff  }
0xb3: {  	s23 =	sshll.u32 s23, $0x1;
	s26 =	simm.s32 $0x380;
	v25 =	vshll.u32 v25, $0x3;
	v60 =	vshll.u32 v31, $0x3;
	v23 =	vor.u32 v1, v23;
	v20 =	vld.idx.msk [tilespmem:v5+s16+$0x0], $0xffff  }
0xb4: {  	s24 =	simm.s32 $0x10;
	v32 =	vshll.u32 v32, $0x3;
	s25 =	simm.s32 $0x210;
	v3 =	vmov s26;
	v4 =	vmov s23;
	v26 =	vld [tilespmem:s22+$0xFFFFFE80]  }
0xb5: {  	s23 =	simm.s32 $0x190;
	s26 =	simm.s32 $0x290;
	v28 =	vmov s25;
	v30 =	vld.idx.msk [tilespmem:v6+s16+$0x0], $0xffff;
	v6 =	vor.u32 s24, v0;
	v21 =	vshll.u32 v3, $0x3  }
0xb6: {  	v33 =	vld [tilespmem:s22+$0xFFFFFF00];
	v3 =	vand.u32 $0x6, v4;
	v27 =	vmov s23;
	v29 =	vmov s26  }
0xb7: {  	v9 =	vld.idx.msk [tilespmem:v9+s16+$0x0], $0xffff;
	v28 =	vshll.u32 v28, $0x3;
	v21 =	vor.u32 v1, v21;
	v14 =	vmul.f32 v22, v14  }
0xb8: {  	v29 =	vshll.u32 v29, $0x3;
	v27 =	vshll.u32 v27, $0x3;
	v20 =	vmul.f32 v22, v20;
	v22 =	vld [tilespmem:s22+$0xFFFFFF80]  }
0xb9: {  	v12 =	vld.idx.msk [tilespmem:v12+s16+$0x0], $0xffff;
	v61 =	vor.u32 v1, v28;
	v8 =	vmul.f32 v26, v8;
	v14 =	vadd.f32 $0.0e+00, v14  }
0xba: {  	v59 =	vld [tilespmem:s22+$0x0];
	v21 =	vadd.s32 v2, v21;
	v16 =	vmul.f32 v26, v16;
	v20 =	vadd.f32 $0.0e+00, v20  }
0xbb: {  	v11 =	vld.idx.msk [tilespmem:v11+s16+$0x0], $0xffff;
	v62 =	vor.u32 v1, v27;
	v8 =	vadd.f32 v8, v14;
	v14 =	vmul.f32 v33, v30  }
0xbc: {  	v24 =	vor.u32 $0x1, v21;
	v15 =	vmul.f32 v33, v15;
	v16 =	vadd.f32 v16, v20;
	v20 =	vld [tilespmem:s22+$0x80]  }
0xbd: {  	v10 =	vld.idx.msk [tilespmem:v10+s16+$0x0], $0xffff;
	v5 =	vand.u32 $0x7FFFFFF8, v4;
	v8 =	vadd.f32 v14, v8;
	v9 =	vmul.f32 v22, v9  }
0xbe: {  	v4 =	vor.u32 $0x1, v3;
	v13 =	vmul.f32 v22, v13;
	v15 =	vadd.f32 v15, v16;
	v16 =	vld [tilespmem:s22+$0x100]  }
0xbf: {  	v14 =	vadd.s32 v5, v7;
	v8 =	vadd.f32 v9, v8;
	v9 =	vmul.f32 v59, v12;
	v12 =	vld.idx.msk [tilespmem:v21+s16+$0x0], $0xffff  }
0xc0: {  	v7 =	vadd.s32 v2, v23;
	v13 =	vadd.f32 v13, v15;
	v15 =	vmul.f32 v59, v19;
	v19 =	vld [tilespmem:s22+$0x180]  }
0xc1: {  	v23 =	vld.idx.msk [tilespmem:v24+s16+$0x0], $0xffff;
	v63 =	vor.u32 $0x1, v7;
	v8 =	vadd.f32 v9, v8;
	v9 =	vmul.f32 v20, v11  }
0xc2: {  	v22 =	vor.u32 v1, v25;
	v11 =	vadd.f32 v15, v13;
	v13 =	vmul.f32 v20, v18  }
0xc3: {  	v21 =	vor.u32 v1, v29;
	v8 =	vadd.f32 v9, v8;
	v9 =	vmul.f32 v16, v10  }
0xc4: {  	v18 =	vor.u32 v3, v14;
	v10 =	vadd.f32 v13, v11;
	v11 =	vmul.f32 v16, v17  }
0xc5: {  	v14 =	vor.u32 v4, v14;
	v8 =	vadd.f32 v9, v8;
	v12 =	vmul.f32 v19, v12  }
0xc6: {  	v9 =	vadd.s32 v2, v22;
	v17 =	vmul.f32 v19, v23;
	v13 =	vadd.f32 v11, v10  }
0xc7: {  	v10 =	vadd.s32 v2, v21;
	v15 =	vor.u32 $0x1, v9;
	v8 =	vadd.f32 v12, v8  }
0xc8: {  	v11 =	vadd.s32 v2, v61;
	v16 =	vor.u32 $0x1, v10;
	v19 =	vadd.f32 v17, v13  }
0xc9: {  	v12 =	vadd.s32 v2, v62;
	v13 =	vor.u32 v1, v32;
	v17 =	vor.u32 $0x1, v11;
	[tilespmem:v18+s17+$0x0] =	vst.idx.msk $0xffff, v8  }
0xca: {  	v8 =	vor.u32 v1, v60;
	v13 =	vadd.s32 v2, v13;
	v18 =	vor.u32 $0x1, v12;
	[tilespmem:v14+s17+$0x0] =	vst.idx.msk $0xffff, v19  }
0xcb: {  	s24 =	simm.s32 $0x3A0;
	s23 =	smov.u32 s22;
	v20 =	vshll.u32 v6, $0x3;
	v14 =	vadd.s32 v2, v8;
	v19 =	vor.u32 $0x1, v13;
	v8 =	vld.idx.msk [tilespmem:v63+s16+$0x0], $0xffff  }
.LBB2_9:
0xcc: {  	p0 =	sne.s32 s24, $0x3F0;
	v20 =	vadd.s32 v2, v20;
	v21 =	vor.u32 $0x1, v14;
	v15 =	vld.idx.msk [tilespmem:v15+s16+$0x0], $0xffff  }
0xcd: {  	v22 =	vor.u32 $0x1, v20;
	v16 =	vld.idx.msk [tilespmem:v16+s16+$0x0], $0xffff  }
0xce: {  	v17 =	vld.idx.msk [tilespmem:v17+s16+$0x0], $0xffff  }
0xcf: {  	v18 =	vld.idx.msk [tilespmem:v18+s16+$0x0], $0xffff  }
0xd0: {  	v19 =	vld.idx.msk [tilespmem:v19+s16+$0x0], $0xffff  }
0xd1: {  	v21 =	vld.idx.msk [tilespmem:v21+s16+$0x0], $0xffff  }
0xd2: {  	v22 =	vld.idx.msk [tilespmem:v22+s16+$0x0], $0xffff  }
0xd3: {  	s23 =	sadd.s32 $0x10, s23;
	v20 =	vld.idx.msk [tilespmem:v20+s16+$0x0], $0xffff  }
0xd4: {  	v23 =	vld [tilespmem:s23+$0xFFFFFE00]  }
0xd5: {  	s25 =	sadd.s32 $0xFFFFFF80, s24;
	v24 =	vmov s24;
	v14 =	vld.idx.msk [tilespmem:v14+s16+$0x0], $0xffff  }
0xd6: {  	s26 =	sadd.s32 $0xFFFFFE00, s24;
	s28 =	sadd.s32 $0xFFFFFE80, s24;
	s29 =	sadd.s32 $0xFFFFFF00, s24;
	v25 =	vmov s25;
	v24 =	vshll.u32 v24, $0x3;
	v26 =	vld [tilespmem:s23+$0xFFFFFE80]  }
0xd7: {  	s30 =	sadd.s32 $0xFFFFFD00, s24;
	s31 =	sadd.s32 $0xFFFFFD80, s24;
	s25 =	sadd.s32 $0xFFFFFC80, s24;
	v27 =	vmov s26;
	v28 =	vmov s28;
	v29 =	vmov s29;
	v13 =	vld.idx.msk [tilespmem:v13+s16+$0x0], $0xffff  }
0xd8: {  	v31 =	vmov s30;
	v32 =	vmov s31;
	v30 =	vor.u32 s25, v0;
	v33 =	vld [tilespmem:s23+$0xFFFFFF00]  }
0xd9: {  	v34 =	vshll.u32 v6, $0x5;
	v24 =	vor.u32 v1, v24;
	v6 =	vmovc v30;
	v20 =	vmul.f32 v23, v20;
	v12 =	vld.idx.msk [tilespmem:v12+s16+$0x0], $0xffff  }
0xda: {  	v29 =	vshll.u32 v29, $0x3;
	v25 =	vshll.u32 v25, $0x3;
	v22 =	vmul.f32 v23, v22;
	v23 =	vld [tilespmem:s23+$0xFFFFFF80]  }
0xdb: {  	v28 =	vshll.u32 v28, $0x3;
	v20 =	vadd.f32 $0.0e+00, v20;
	v14 =	vmul.f32 v26, v14;
	v11 =	vld.idx.msk [tilespmem:v11+s16+$0x0], $0xffff  }
0xdc: {  	v27 =	vshll.u32 v27, $0x3;
	v22 =	vadd.f32 $0.0e+00, v22;
	v21 =	vmul.f32 v26, v21;
	v26 =	vld [tilespmem:s23+$0x0]  }
0xdd: {  	v30 =	vshll.u32 v32, $0x3;
	v14 =	vadd.f32 v14, v20;
	v13 =	vmul.f32 v33, v13;
	v10 =	vld.idx.msk [tilespmem:v10+s16+$0x0], $0xffff  }
0xde: {  	v20 =	vshll.u32 v31, $0x3;
	v21 =	vadd.f32 v21, v22;
	v19 =	vmul.f32 v33, v19;
	v22 =	vld [tilespmem:s23+$0x80]  }
0xdf: {  	v13 =	vadd.f32 v13, v14;
	v12 =	vmul.f32 v23, v12;
	v9 =	vld.idx.msk [tilespmem:v9+s16+$0x0], $0xffff;
	v14 =	vadd.s32 v5, v34  }
0xe0: {  	v24 =	vadd.s32 v2, v24;
	v19 =	vadd.f32 v19, v21;
	v18 =	vmul.f32 v23, v18;
	v21 =	vld [tilespmem:s23+$0x100]  }
0xe1: {  	v23 =	vor.u32 v1, v25;
	v12 =	vadd.f32 v12, v13;
	v11 =	vmul.f32 v26, v11;
	v13 =	vld.idx.msk [tilespmem:v7+s16+$0x0], $0xffff  }
0xe2: {  	v25 =	vor.u32 v1, v29;
	v18 =	vadd.f32 v18, v19;
	v17 =	vmul.f32 v26, v17;
	v7 =	vmovc v24;
	v19 =	vld [tilespmem:s23+$0x180]  }
0xe3: {  	v24 =	vor.u32 v1, v28;
	v11 =	vadd.f32 v11, v12;
	v10 =	vmul.f32 v22, v10  }
0xe4: {  	v12 =	vor.u32 v1, v27;
	v17 =	vadd.f32 v17, v18;
	v16 =	vmul.f32 v22, v16  }
0xe5: {  	v18 =	vor.u32 v3, v14;
	v10 =	vadd.f32 v10, v11;
	v9 =	vmul.f32 v21, v9  }
0xe6: {  	v14 =	vor.u32 v4, v14;
	v11 =	vadd.f32 v16, v17;
	v15 =	vmul.f32 v21, v15  }
0xe7: {  	v21 =	vor.u32 $0x1, v7;
	v16 =	vadd.f32 v9, v10;
	v13 =	vmul.f32 v19, v13  }
0xe8: {  	v9 =	vadd.s32 v2, v23;
	v17 =	vadd.f32 v15, v11;
	v8 =	vmul.f32 v19, v8  }
.Ltmp5:
0xe9: {  	v10 =	vadd.s32 v2, v25;
	v15 =	vor.u32 $0x1, v9;
	v13 =	vadd.f32 v13, v16;
	(pc) =	sbr.rel @p0 .LBB2_9-.Ltmp5, $4  }
0xea: {  	v11 =	vadd.s32 v2, v24;
	v16 =	vor.u32 $0x1, v10;
	v8 =	vadd.f32 v8, v17  }
0xeb: {  	v12 =	vadd.s32 v2, v12;
	v19 =	vor.u32 v1, v30;
	v17 =	vor.u32 $0x1, v11;
	[tilespmem:v18+s17+$0x0] =	vst.idx.msk $0xffff, v13  }
0xec: {  	v22 =	vor.u32 v1, v20;
	v13 =	vadd.s32 v2, v19;
	v18 =	vor.u32 $0x1, v12;
	[tilespmem:v14+s17+$0x0] =	vst.idx.msk $0xffff, v8  }
0xed: {  	s24 =	sadd.s32 $0x10, s24;
	v20 =	vshll.u32 v6, $0x3;
	v14 =	vadd.s32 v2, v22;
	v19 =	vor.u32 $0x1, v13;
	v8 =	vld.idx.msk [tilespmem:v21+s16+$0x0], $0xffff  }
0xee: {  	_ =	sdelay $0x3  }
0xef: {  	v15 =	vld.idx.msk [tilespmem:v15+s16+$0x0], $0xffff  }
0xf0: {  	v16 =	vld.idx.msk [tilespmem:v16+s16+$0x0], $0xffff  }
0xf1: {  	v17 =	vld.idx.msk [tilespmem:v17+s16+$0x0], $0xffff  }
0xf2: {  	v2 =	vadd.s32 v2, v20;
	v18 =	vld.idx.msk [tilespmem:v18+s16+$0x0], $0xffff  }
0xf3: {  	v19 =	vld.idx.msk [tilespmem:v19+s16+$0x0], $0xffff;
	v21 =	vor.u32 $0x1, v2  }
0xf4: {  	v44 =	vld.idx.msk [tilespmem:v14+s16+$0x0], $0xffff  }
0xf5: {  	v43 =	vor.u32 $0x1, v14;
	s23 =	sadd.s32 $0x10, s23;
	v13 =	vld.idx.msk [tilespmem:v13+s16+$0x0], $0xffff  }
0xf6: {  	v22 =	vld [tilespmem:s23+$0xFFFFFE00]  }
0xf7: {  	v2 =	vld.idx.msk [tilespmem:v2+s16+$0x0], $0xffff  }
0xf8: {  	v21 =	vld.idx.msk [tilespmem:v21+s16+$0x0], $0xffff  }
0xf9: {  	v23 =	vld [tilespmem:s23+$0xFFFFFE80]  }
0xfa: {  	v20 =	vld.idx.msk [tilespmem:v43+s16+$0x0], $0xffff  }
0xfb: {  	v24 =	vld [tilespmem:s23+$0xFFFFFF00]  }
0xfc: {  	v12 =	vld.idx.msk [tilespmem:v12+s16+$0x0], $0xffff;
	v2 =	vmul.f32 v22, v2  }
0xfd: {  	v45 =	vld [tilespmem:s23+$0xFFFFFF80];
	v21 =	vmul.f32 v22, v21  }
0xfe: {  	v11 =	vld.idx.msk [tilespmem:v11+s16+$0x0], $0xffff;
	v14 =	vmul.f32 v23, v44;
	v2 =	vadd.f32 $0.0e+00, v2  }
0xff: {  	v46 =	vld [tilespmem:s23+$0x0];
	v20 =	vmul.f32 v23, v20;
	v21 =	vadd.f32 $0.0e+00, v21  }
0x100: {  	v10 =	vld.idx.msk [tilespmem:v10+s16+$0x0], $0xffff;
	v13 =	vmul.f32 v24, v13;
	v2 =	vadd.f32 v14, v2  }
0x101: {  	v48 =	vld [tilespmem:s23+$0x80];
	v19 =	vmul.f32 v24, v19;
	v47 =	vadd.f32 v20, v21  }
0x102: {  	v9 =	vld.idx.msk [tilespmem:v9+s16+$0x0], $0xffff;
	v12 =	vmul.f32 v45, v12;
	v2 =	vadd.f32 v13, v2  }
0x103: {  	v51 =	vld [tilespmem:s23+$0x100];
	v50 =	vmul.f32 v45, v18;
	v49 =	vadd.f32 v19, v47  }
0x104: {  	v7 =	vld.idx.msk [tilespmem:v7+s16+$0x0], $0xffff;
	v11 =	vmul.f32 v46, v11;
	v2 =	vadd.f32 v12, v2  }
0x105: {  	v54 =	vld [tilespmem:s23+$0x180];
	v53 =	vmul.f32 v46, v17;
	v52 =	vadd.f32 v50, v49  }
0x106: {  	v10 =	vmul.f32 v48, v10;
	v2 =	vadd.f32 v11, v2  }
0x107: {  	v6 =	vshll.u32 v6, $0x5;
	v56 =	vmul.f32 v48, v16;
	v55 =	vadd.f32 v53, v52  }
0x108: {  	v5 =	vadd.s32 v5, v6;
	v57 =	vmul.f32 v51, v9;
	v2 =	vadd.f32 v10, v2  }
0x109: {  	v3 =	vor.u32 v3, v5;
	v59 =	vmul.f32 v51, v15;
	v58 =	vadd.f32 v56, v55  }
0x10a: {  	v4 =	vor.u32 v4, v5;
	v60 =	vmul.f32 v54, v7;
	v2 =	vadd.f32 v57, v2  }
.Ltmp6:
0x10b: {  	v62 =	vmul.f32 v54, v8;
	v61 =	vadd.f32 v59, v58;
	(pc) =	sbr.rel .LBB2_11-.Ltmp6, $4  }
0x10c: {  	v2 =	vadd.f32 v60, v2  }
0x10d: {  	v63 =	vadd.f32 v62, v61  }
0x10e: {  	[tilespmem:v3+s17+$0x0] =	vst.idx.msk $0xffff, v2  }
0x10f: {  	[tilespmem:v4+s17+$0x0] =	vst.idx.msk $0xffff, v63  }
.LBB2_12:
0x110: {  	_ =	swait.ge [sflag:s15], $0x100  }
0x111: {  	[sflag:s15] =	ssyncset.done $0x0  }
0x112: {  	[sflag:s15] =	ssyncadd.s32 $0xFFFFFF00  }
0x113: {  	_ =	swait.ge [sflag:s15], $0x100  }
0x114: {  	[sflag:s15] =	ssyncset.done $0x0  }
0x115: {  	[sflag:s15] =	ssyncadd.s32 $0xFFFFFF00  }
0x116: {  	_ =	swait.ge [sflag:s15], $0x100  }
0x117: {  	[sflag:s15] =	ssyncset.done $0x0  }
0x118: {  	[sflag:s15] =	ssyncadd.s32 $0xFFFFFF00  }
0x119: {  	_ =	swait.ge [sflag:s15], $0x100  }
0x11a: {  	[sflag:s15] =	ssyncset.done $0x0  }
0x11b: {  	[sflag:s15] =	ssyncadd.s32 $0xFFFFFF00  }
0x11c: {  	_ =	swait.ge [sflag:s15], $0x100  }
0x11d: {  	[sflag:s15] =	ssyncset.done $0x0  }
0x11e: {  	[sflag:s15] =	ssyncadd.s32 $0xFFFFFF00  }
0x11f: {  	s21 =	simm.s32 $0x280;
	s22 =	simm.s32 $0x300;
	_ =	swait.ge [sflag:s15], $0x100  }
0x120: {  	s26 =	simm.s32 $0x180;
	s28 =	simm.s32 $0x100;
	v2 =	vmov s21;
	v3 =	vmov s22;
	[sflag:s15] =	ssyncset.done $0x0  }
0x121: {  	s29 =	simm.s32 $0x80;
	v5 =	vmov s26;
	v6 =	vmov s28;
	v3 =	vshll.u32 v3, $0x3;
	[sflag:s15] =	ssyncadd.s32 $0xFFFFFF00  }
0x122: {  	v7 =	vmov s29;
	v2 =	vshll.u32 v2, $0x3;
	v3 =	vor.u32 v1, v3;
	_ =	swait.ge [sflag:s15], $0x100  }
0x123: {  	v5 =	vshll.u32 v5, $0x3;
	v2 =	vor.u32 v1, v2;
	v8 =	vor.u32 $0x2001, v3;
	[sflag:s15] =	ssyncset.done $0x0  }
0x124: {  	v6 =	vshll.u32 v6, $0x3;
	v5 =	vor.u32 v1, v5;
	v9 =	vor.u32 $0x2001, v2;
	[sflag:s15] =	ssyncadd.s32 $0xFFFFFF00  }
0x125: {  	s30 =	simm.s32 $0x0;
	v7 =	vshll.u32 v7, $0x3;
	v6 =	vor.u32 v1, v6;
	v11 =	vor.u32 $0x2001, v5;
	_ =	swait.ge [sflag:s15], $0x100  }
0x126: {  	v12 =	vor.u32 s30, v0;
	v7 =	vor.u32 v1, v7;
	v13 =	vor.u32 $0x2001, v6;
	[sflag:s15] =	ssyncset.done $0x0  }
0x127: {  	v14 =	vshll.u32 v12, $0x3;
	v15 =	vor.u32 $0x2001, v7;
	[sflag:s15] =	ssyncadd.s32 $0xFFFFFF00  }
0x128: {  	v16 =	vor.u32 $0x2001, v14;
	v8 =	vld.idx.msk [tilespmem:v8+s16+$0x0], $0xffff  }
0x129: {  	v14 =	vor.u32 $0x2000, v14;
	v9 =	vld.idx.msk [tilespmem:v9+s16+$0x0], $0xffff  }
0x12a: {  	v11 =	vld.idx.msk [tilespmem:v11+s16+$0x0], $0xffff  }
0x12b: {  	v7 =	vor.u32 $0x2000, v7;
	v13 =	vld.idx.msk [tilespmem:v13+s16+$0x0], $0xffff  }
0x12c: {  	s23 =	simm.s32 $0x200;
	v15 =	vld.idx.msk [tilespmem:v15+s16+$0x0], $0xffff  }
0x12d: {  	v4 =	vmov s23;
	v6 =	vor.u32 $0x2000, v6;
	v16 =	vld.idx.msk [tilespmem:v16+s16+$0x0], $0xffff  }
0x12e: {  	s21 =	simm.s32 $0x8140;
	v4 =	vshll.u32 v4, $0x3;
	v14 =	vld.idx.msk [tilespmem:v14+s16+$0x0], $0xffff  }
0x12f: {  	v4 =	vor.u32 v1, v4;
	v5 =	vor.u32 $0x2000, v5;
	v17 =	vld [tilespmem:s21+$0xFFFFFC80]  }
0x130: {  	v10 =	vor.u32 $0x2001, v4;
	v4 =	vor.u32 $0x2000, v4;
	v7 =	vld.idx.msk [tilespmem:v7+s16+$0x0], $0xffff  }
0x131: {  	s31 =	simm.s32 $0x380;
	v19 =	vld [tilespmem:s21+$0xFFFFFD00]  }
0x132: {  	s24 =	simm.s32 $0x290;
	s25 =	simm.s32 $0x310;
	v18 =	vmov s31;
	v6 =	vld.idx.msk [tilespmem:v6+s16+$0x0], $0xffff  }
0x133: {  	s23 =	simm.s32 $0x390;
	v23 =	vmov s24;
	s26 =	simm.s32 $0x210;
	v24 =	vmov s25;
	v18 =	vshll.u32 v18, $0x3;
	v22 =	vld [tilespmem:s21+$0xFFFFFD80]  }
0x134: {  	s28 =	simm.s32 $0x190;
	s29 =	simm.s32 $0x110;
	v21 =	vmov s23;
	v25 =	vmov s26;
	v2 =	vor.u32 $0x2000, v2;
	v5 =	vld.idx.msk [tilespmem:v5+s16+$0x0], $0xffff  }
0x135: {  	v26 =	vmov s28;
	v27 =	vmov s29;
	v4 =	vld.idx.msk [tilespmem:v4+s16+$0x0], $0xffff;
	v14 =	vmul.f32 v17, v14  }
0x136: {  	v18 =	vor.u32 v1, v18;
	v3 =	vor.u32 $0x2000, v3;
	v16 =	vmul.f32 v17, v16;
	v17 =	vld [tilespmem:s21+$0xFFFFFE00]  }
0x137: {  	v7 =	vmul.f32 v19, v7;
	v15 =	vmul.f32 v19, v15;
	v19 =	vld [tilespmem:s21+$0xFFFFFE80];
	v14 =	vadd.f32 $0.0e+00, v14  }
0x138: {  	v20 =	vor.u32 $0x2001, v18;
	v18 =	vor.u32 $0x2000, v18;
	v10 =	vld.idx.msk [tilespmem:v10+s16+$0x0], $0xffff;
	v16 =	vadd.f32 $0.0e+00, v16  }
0x139: {  	s30 =	simm.s32 $0x90;
	v21 =	vshll.u32 v21, $0x3;
	v6 =	vmul.f32 v22, v6;
	v7 =	vadd.f32 v7, v14;
	v14 =	vld.idx.msk [tilespmem:v2+s16+$0x0], $0xffff  }
0x13a: {  	v13 =	vmul.f32 v22, v13;
	v2 =	vadd.f32 v15, v16;
	v15 =	vld [tilespmem:s21+$0xFFFFFF00];
	v16 =	vmov s30  }
0x13b: {  	v3 =	vld.idx.msk [tilespmem:v3+s16+$0x0], $0xffff;
	v5 =	vmul.f32 v17, v5;
	v11 =	vmul.f32 v17, v11;
	v6 =	vadd.f32 v6, v7  }
0x13c: {  	v4 =	vmul.f32 v19, v4;
	v7 =	vshll.u32 v12, $0x5;
	v12 =	vadd.f32 v13, v2;
	v13 =	vld [tilespmem:s21+$0xFFFFFF80]  }
0x13d: {  	v17 =	vshll.u32 v24, $0x3;
	v10 =	vmul.f32 v19, v10;
	v5 =	vadd.f32 v5, v6;
	v6 =	vld.idx.msk [tilespmem:v18+s16+$0x0], $0xffff  }
0x13e: {  	v19 =	vshll.u32 v23, $0x3;
	v2 =	vor.u32 v1, v21;
	v11 =	vadd.f32 v11, v12;
	v12 =	vld [tilespmem:s21+$0x0]  }
0x13f: {  	v18 =	vld.idx.msk [tilespmem:v20+s16+$0x0], $0xffff;
	v9 =	vmul.f32 v15, v9;
	v4 =	vadd.f32 v4, v5;
	v5 =	vmul.f32 v15, v14  }
0x140: {  	v14 =	vshll.u32 v25, $0x3;
	v10 =	vadd.f32 v10, v11;
	v15 =	vor.u32 $0x2001, v2  }
0x141: {  	v3 =	vmul.f32 v13, v3;
	v8 =	vmul.f32 v13, v8;
	v4 =	vadd.f32 v5, v4  }
0x142: {  	v13 =	vor.u32 $0x1F, v7;
	v5 =	vor.u32 $0x1E, v7;
	v9 =	vadd.f32 v9, v10  }
0x143: {  	v7 =	vor.u32 v1, v19;
	v3 =	vadd.f32 v3, v4;
	v4 =	vmul.f32 v12, v6  }
0x144: {  	v10 =	vmul.f32 v12, v18;
	v6 =	vor.u32 v1, v17;
	v9 =	vadd.f32 v8, v9  }
0x145: {  	v11 =	vor.u32 $0x2001, v7;
	v18 =	vor.u32 $0x2001, v6;
	v3 =	vadd.f32 v4, v3  }
0x146: {  	v12 =	vshll.u32 v26, $0x3;
	v8 =	vor.u32 v1, v14;
	v4 =	vadd.f32 v10, v9  }
0x147: {  	v10 =	vshll.u32 v27, $0x3;
	v9 =	vor.u32 v1, v12;
	v12 =	vor.u32 $0x2001, v8;
	[tilespmem:v5+s17+$0x0] =	vst.idx.msk $0xffff, v3  }
0x148: {  	s31 =	simm.s32 $0x10;
	v10 =	vor.u32 v1, v10;
	v3 =	vshll.u32 v16, $0x3;
	[tilespmem:v13+s17+$0x0] =	vst.idx.msk $0xffff, v4;
	v13 =	vor.u32 $0x2001, v9  }
0x149: {  	v5 =	vor.u32 s31, v0;
	v14 =	vor.u32 v1, v3;
	v3 =	vld.idx.msk [tilespmem:v15+s16+$0x0], $0xffff;
	v15 =	vor.u32 $0x2001, v10  }
0x14a: {  	s22 =	simm.s32 $0x3A0;
	v17 =	vshll.u32 v5, $0x3;
	v16 =	vor.u32 $0x2001, v14;
	v4 =	vld.idx.msk [tilespmem:v18+s16+$0x0], $0xffff  }
.LBB2_13:
0x14b: {  	p0 =	sne.s32 s22, $0x3F0;
	v18 =	vor.u32 $0x2001, v17;
	v11 =	vld.idx.msk [tilespmem:v11+s16+$0x0], $0xffff  }
0x14c: {  	v17 =	vor.u32 $0x2000, v17;
	v12 =	vld.idx.msk [tilespmem:v12+s16+$0x0], $0xffff  }
0x14d: {  	v13 =	vld.idx.msk [tilespmem:v13+s16+$0x0], $0xffff  }
0x14e: {  	v14 =	vor.u32 $0x2000, v14;
	v15 =	vld.idx.msk [tilespmem:v15+s16+$0x0], $0xffff  }
0x14f: {  	v16 =	vld.idx.msk [tilespmem:v16+s16+$0x0], $0xffff  }
0x150: {  	v10 =	vor.u32 $0x2000, v10;
	v18 =	vld.idx.msk [tilespmem:v18+s16+$0x0], $0xffff  }
0x151: {  	s21 =	sadd.s32 $0x10, s21;
	v17 =	vld.idx.msk [tilespmem:v17+s16+$0x0], $0xffff  }
0x152: {  	v9 =	vor.u32 $0x2000, v9;
	v19 =	vld [tilespmem:s21+$0xFFFFFC80]  }
0x153: {  	v14 =	vld.idx.msk [tilespmem:v14+s16+$0x0], $0xffff  }
0x154: {  	v8 =	vor.u32 $0x2000, v8;
	v20 =	vld [tilespmem:s21+$0xFFFFFD00]  }
0x155: {  	v21 =	vmov s22;
	v10 =	vld.idx.msk [tilespmem:v10+s16+$0x0], $0xffff  }
0x156: {  	s23 =	sadd.s32 $0xFFFFFF00, s22;
	s24 =	sadd.s32 $0xFFFFFF80, s22;
	v7 =	vor.u32 $0x2000, v7;
	v21 =	vshll.u32 v21, $0x3;
	v22 =	vld [tilespmem:s21+$0xFFFFFD80]  }
0x157: {  	s25 =	sadd.s32 $0xFFFFFE80, s22;
	v23 =	vmov s23;
	v24 =	vmov s24;
	v17 =	vmul.f32 v19, v17;
	v9 =	vld.idx.msk [tilespmem:v9+s16+$0x0], $0xffff  }
0x158: {  	v6 =	vor.u32 $0x2000, v6;
	s23 =	sadd.s32 $0xFFFFFE00, s22;
	v25 =	vmov s25;
	v18 =	vmul.f32 v19, v18;
	v19 =	vld [tilespmem:s21+$0xFFFFFE00]  }
0x159: {  	v26 =	vmov s23;
	v17 =	vadd.f32 $0.0e+00, v17;
	v14 =	vmul.f32 v20, v14;
	v8 =	vld.idx.msk [tilespmem:v8+s16+$0x0], $0xffff  }
0x15a: {  	v27 =	vor.u32 $0x2000, v2;
	s23 =	sadd.s32 $0xFFFFFD80, s22;
	v18 =	vadd.f32 $0.0e+00, v18;
	v16 =	vmul.f32 v20, v16;
	v20 =	vld [tilespmem:s21+$0xFFFFFE80]  }
0x15b: {  	s24 =	sadd.s32 $0xFFFFFD00, s22;
	v28 =	vmov s23;
	v2 =	vadd.f32 v14, v17;
	v10 =	vmul.f32 v22, v10;
	v7 =	vld.idx.msk [tilespmem:v7+s16+$0x0], $0xffff  }
0x15c: {  	v14 =	vmov s24;
	v16 =	vadd.f32 v16, v18;
	v15 =	vmul.f32 v22, v15;
	v17 =	vld [tilespmem:s21+$0xFFFFFF00]  }
0x15d: {  	v5 =	vshll.u32 v5, $0x5;
	v10 =	vadd.f32 v10, v2;
	v9 =	vmul.f32 v19, v9;
	v6 =	vld.idx.msk [tilespmem:v6+s16+$0x0], $0xffff  }
0x15e: {  	v2 =	vor.u32 v1, v21;
	v15 =	vadd.f32 v15, v16;
	v13 =	vmul.f32 v19, v13;
	v16 =	vld [tilespmem:s21+$0xFFFFFF80]  }
0x15f: {  	v18 =	vshll.u32 v24, $0x3;
	v9 =	vadd.f32 v9, v10;
	v8 =	vmul.f32 v20, v8;
	v10 =	vld.idx.msk [tilespmem:v27+s16+$0x0], $0xffff  }
0x160: {  	v19 =	vshll.u32 v23, $0x3;
	v13 =	vadd.f32 v13, v15;
	v12 =	vmul.f32 v20, v12;
	v15 =	vld [tilespmem:s21+$0x0]  }
0x161: {  	v20 =	vshll.u32 v25, $0x3;
	v8 =	vadd.f32 v8, v9;
	v7 =	vmul.f32 v17, v7  }
0x162: {  	v9 =	vshll.u32 v26, $0x3;
	v12 =	vadd.f32 v12, v13;
	v11 =	vmul.f32 v17, v11  }
0x163: {  	v13 =	vor.u32 $0x1E, v5;
	v7 =	vadd.f32 v7, v8;
	v6 =	vmul.f32 v16, v6  }
0x164: {  	v5 =	vor.u32 $0x1F, v5;
	v8 =	vadd.f32 v11, v12;
	v4 =	vmul.f32 v16, v4  }
0x165: {  	v16 =	vor.u32 $0x2001, v2;
	v11 =	vadd.f32 v6, v7;
	v10 =	vmul.f32 v15, v10  }
0x166: {  	v6 =	vor.u32 v1, v18;
	v4 =	vadd.f32 v4, v8;
	v3 =	vmul.f32 v15, v3  }
0x167: {  	v7 =	vor.u32 v1, v19;
	v18 =	vor.u32 $0x2001, v6;
	v10 =	vadd.f32 v10, v11  }
.Ltmp7:
0x168: {  	v8 =	vor.u32 v1, v20;
	v11 =	vor.u32 $0x2001, v7;
	v3 =	vadd.f32 v3, v4;
	(pc) =	sbr.rel @p0 .LBB2_13-.Ltmp7, $4  }
0x169: {  	v9 =	vor.u32 v1, v9;
	v12 =	vor.u32 $0x2001, v8;
	v4 =	vshll.u32 v28, $0x3;
	[tilespmem:v13+s17+$0x0] =	vst.idx.msk $0xffff, v10  }
0x16a: {  	s23 =	sadd.s32 $0xFFFFFC80, s22;
	v14 =	vshll.u32 v14, $0x3;
	v10 =	vor.u32 v1, v4;
	v13 =	vor.u32 $0x2001, v9;
	[tilespmem:v5+s17+$0x0] =	vst.idx.msk $0xffff, v3  }
0x16b: {  	v14 =	vor.u32 v1, v14;
	v5 =	vor.u32 s23, v0;
	v15 =	vor.u32 $0x2001, v10;
	v3 =	vld.idx.msk [tilespmem:v16+s16+$0x0], $0xffff  }
0x16c: {  	s22 =	sadd.s32 $0x10, s22;
	v17 =	vshll.u32 v5, $0x3;
	v16 =	vor.u32 $0x2001, v14;
	v4 =	vld.idx.msk [tilespmem:v18+s16+$0x0], $0xffff  }
0x16d: {  	_ =	sdelay $0x3  }
0x16e: {  	v11 =	vld.idx.msk [tilespmem:v11+s16+$0x0], $0xffff  }
0x16f: {  	v12 =	vld.idx.msk [tilespmem:v12+s16+$0x0], $0xffff  }
0x170: {  	v53 =	vor.u32 $0x2000, v17;
	v13 =	vld.idx.msk [tilespmem:v13+s16+$0x0], $0xffff  }
0x171: {  	v18 =	vor.u32 $0x2001, v17;
	v15 =	vld.idx.msk [tilespmem:v15+s16+$0x0], $0xffff  }
0x172: {  	v14 =	vor.u32 $0x2000, v14;
	v16 =	vld.idx.msk [tilespmem:v16+s16+$0x0], $0xffff;
	s21 =	sadd.s32 $0x10, s21  }
0x173: {  	v19 =	vld [tilespmem:s21+$0xFFFFFC80]  }
0x174: {  	v10 =	vor.u32 $0x2000, v10;
	v20 =	vld [tilespmem:s21+$0xFFFFFD00]  }
0x175: {  	v17 =	vld.idx.msk [tilespmem:v53+s16+$0x0], $0xffff  }
0x176: {  	v9 =	vor.u32 $0x2000, v9;
	v18 =	vld.idx.msk [tilespmem:v18+s16+$0x0], $0xffff  }
0x177: {  	v14 =	vld.idx.msk [tilespmem:v14+s16+$0x0], $0xffff  }
0x178: {  	v8 =	vor.u32 $0x2000, v8;
	v21 =	vld [tilespmem:s21+$0xFFFFFD80]  }
0x179: {  	v10 =	vld.idx.msk [tilespmem:v10+s16+$0x0], $0xffff  }
0x17a: {  	v7 =	vor.u32 $0x2000, v7;
	v54 =	vld [tilespmem:s21+$0xFFFFFE00];
	v17 =	vmul.f32 v19, v17  }
0x17b: {  	v9 =	vld.idx.msk [tilespmem:v9+s16+$0x0], $0xffff;
	v18 =	vmul.f32 v19, v18  }
0x17c: {  	v6 =	vor.u32 $0x2000, v6;
	v55 =	vld [tilespmem:s21+$0xFFFFFE80];
	v14 =	vmul.f32 v20, v14;
	v17 =	vadd.f32 $0.0e+00, v17  }
0x17d: {  	v8 =	vld.idx.msk [tilespmem:v8+s16+$0x0], $0xffff;
	v16 =	vmul.f32 v20, v16;
	v18 =	vadd.f32 $0.0e+00, v18  }
0x17e: {  	v2 =	vor.u32 $0x2000, v2;
	v56 =	vld [tilespmem:s21+$0xFFFFFF00];
	v10 =	vmul.f32 v21, v10;
	v14 =	vadd.f32 v14, v17  }
0x17f: {  	v7 =	vld.idx.msk [tilespmem:v7+s16+$0x0], $0xffff;
	v15 =	vmul.f32 v21, v15;
	v16 =	vadd.f32 v16, v18  }
0x180: {  	v58 =	vld [tilespmem:s21+$0xFFFFFF80];
	v9 =	vmul.f32 v54, v9;
	v10 =	vadd.f32 v10, v14  }
0x181: {  	v6 =	vld.idx.msk [tilespmem:v6+s16+$0x0], $0xffff;
	v13 =	vmul.f32 v54, v13;
	v57 =	vadd.f32 v15, v16  }
0x182: {  	v60 =	vld [tilespmem:s21+$0x0];
	v8 =	vmul.f32 v55, v8;
	v9 =	vadd.f32 v9, v10  }
0x183: {  	v2 =	vld.idx.msk [tilespmem:v2+s16+$0x0], $0xffff;
	v12 =	vmul.f32 v55, v12;
	v59 =	vadd.f32 v13, v57  }
0x184: {  	v7 =	vmul.f32 v56, v7;
	v8 =	vadd.f32 v8, v9  }
0x185: {  	v62 =	vmul.f32 v56, v11;
	v61 =	vadd.f32 v12, v59  }
0x186: {  	v5 =	vshll.u32 v5, $0x5;
	v6 =	vmul.f32 v58, v6;
	v7 =	vadd.f32 v7, v8  }
0x187: {  	v63 =	vor.u32 $0x1E, v5;
	v4 =	vmul.f32 v58, v4;
	v9 =	vadd.f32 v62, v61  }
0x188: {  	v5 =	vor.u32 $0x1F, v5;
	v2 =	vmul.f32 v60, v2;
	v6 =	vadd.f32 v6, v7  }
0x189: {  	v3 =	vmul.f32 v60, v3;
	v4 =	vadd.f32 v4, v9  }
0x18a: {  	v2 =	vadd.f32 v2, v6  }
0x18b: {  	s19 =	sadd.s32 $0x1, s19;
	v3 =	vadd.f32 v3, v4  }
0x18c: {  	s20 =	sshll.u32 s20, $0x2;
	p0 =	sne.s32 s19, $0x100;
	[tilespmem:v63+s17+$0x0] =	vst.idx.msk $0xffff, v2  }
.Ltmp8:
0x18d: {  	s20 =	sadd.s32 s7, s20;
	[tilespmem:v5+s17+$0x0] =	vst.idx.msk $0xffff, v3;
	(pc) =	sbr.rel @p0 .LBB2_2-.Ltmp8, $4  }
0x18e: {  	[hbm4b:s20+s2] =	stream.linear.scatter [tilespmem:s17], [sflag:$0x3], $0x1000, $0x38;
	[tilespmem:$0xD1C0] =	vst v63  }
0x18f: {  	_ =	swait.ge [sflag:s11], $0x1000  }
0x190: {  	[sflag:s11] =	ssyncset.done $0x0  }
0x191: {  	[sflag:s11] =	ssyncadd.s32 $0xFFFFF000  }
0x192: {  	s18 =	sadd.s32 $0x1, s18  }
0x193: {  	p0 =	sne.s32 s18, s9  }
.Ltmp9:
0x194: {  	_ = 	snop;
	(pc) =	sbr.rel @p0 .LBB2_1-.Ltmp9, $1  }
0x195: {  	_ =	sdelay $0x3  }
0x196: {  	_ =	sfence.sel $0x180000  }
0x197: {  	[bflag:$0x0] =	sbarrier.arrive $0xFFFF  }
0x198: {  	p0 =	sne.s32 s3, $0x0;
	_ =	strace $0x90000047  }
0x199: {  	s0 =	sadd.s32 @!p0 $0x100000, s0;
	[bflag:$0x2] =	sbarrier.arrive $0xFFFF  }
0x19a: {  	[sflag:s0] =	ssyncadd.tile.s32 @!p0 $0x1;
	_ =	shalt  }
.Lfunc_end2:
_tile_overlayer_lowered:
.L_overlay_start_2:
0x19b: {  	(tag) =	ssettag $0x2  }
0x19c: {  	s0 =	rddreg [dreg:$0x0];
	s2 =	stileid.u32  }
0x19d: {  	s1 =	rddreg [dreg:$0x1];
	p0 =	sne.s32 s2, $0x0  }
0x19e: {  	s3 =	rddreg [dreg:$0x2];
	[bflag:$0x3] =	sbarrier.arrive $0xFFFF;
	s2 =	simm.s32 @!p0 $0x1C03  }
0x19f: {  	[timem:s3], [sflag:s2] =	dma.local @!p0 [hbm:s0], s1  }
0x1a0: {  	s0 =	simm.s32 @!p0 $0x3  }
0x1a1: {  	_ =	swait.ge @!p0 [sflag:s0], s1  }
0x1a2: {  	s1 =	ssub.s32 @!p0 $0x0, s1;
	[sflag:s0] =	ssyncset.done @!p0 $0x0  }
0x1a3: {  	[sflag:s0] =	ssyncadd.s32 @!p0 s1  }
0x1a4: {  	[bflag:$0x3] =	sbarrier.arrive $0xFFFF  }
0x1a5: {  	_ =	shalt  }

</sc_bundles>
